<compile_context>
chip_gen: v7x
topology: tpu7x:2x2x1
jax: 0.10.2.dev20260603
libtpu: 0.0.44.dev20260713+nightly
codegen_flags: <defaults>
</compile_context>

<pallas_src>
import functools

import jax
import jax.numpy as jnp
from jax import lax
from jax.experimental import pallas as pl
from jax.experimental.pallas import tpu as pltpu
from jax.experimental.pallas import tpu_sc as plsc

S, B, D, E, F = 2048, 2, 768, 8, 3072
T = S * B
LANES = 128
BT = 512
NTB = T // BT
M = 512
NB = 16
P = NB * M

NEG = -1e9


def _router_body(x_ref, wg_ref, bg_ref, pos_ref, rpm_ref, counts_ref,
                 rps_ref, blk_ref, routes_sc, rank_sc, cnt_sc, rps_sc):
    i = pl.program_id(0)

    @pl.when(i == 0)
    def _():
        cnt_sc[...] = jnp.zeros_like(cnt_sc)
        rps_sc[...] = jnp.zeros_like(rps_sc)

    @pl.when(i < NTB)
    def _():
        xb = x_ref[...]
        logits = jnp.dot(xb, wg_ref[...],
                         preferred_element_type=jnp.float32) + bg_ref[...]
        m = jnp.max(logits, axis=1, keepdims=True)
        ex = jnp.exp(logits - m)
        ssum = jnp.sum(ex, axis=1, keepdims=True)
        p = ex / ssum
        routes = jnp.argmax(p, axis=1).astype(jnp.int32)
        rpm_ref[...] = (1.0 / ssum)[:, 0]
        routes_sc[pl.ds(i * BT, BT)] = routes

        lane = lax.broadcasted_iota(jnp.int32, (BT, LANES), 1)
        ohb = (lane == routes[:, None]).astype(jnp.bfloat16)
        row = lax.broadcasted_iota(jnp.int32, (BT, BT), 0)
        col = lax.broadcasted_iota(jnp.int32, (BT, BT), 1)
        tril = (row >= col).astype(jnp.bfloat16)
        ranks = jnp.dot(tril, ohb, preferred_element_type=jnp.float32)

        base = cnt_sc[0:1, :]
        sel = lane == routes[:, None]
        rank_sc[pl.ds(i * BT, BT)] = jnp.sum(
            jnp.where(sel, ranks - 1.0 + base, 0.0), axis=1).astype(jnp.int32)

        new_cnt = base + ranks[BT - 1:BT, :]
        cnt_sc[0:1, :] = new_cnt
        new_rps = rps_sc[0:1, :] + jnp.sum(p, axis=0, keepdims=True)
        rps_sc[0:1, :] = new_rps
        counts_ref[...] = new_cnt
        rps_ref[...] = new_rps

    @pl.when(i == NTB)
    def _():
        counts = cnt_sc[0:1, :]
        nblk = jnp.floor((counts + (M - 1)) * (1.0 / M))
        rowl = lax.broadcasted_iota(jnp.int32, (LANES, LANES), 0)
        coll = lax.broadcasted_iota(jnp.int32, (LANES, LANES), 1)
        triu_x = (rowl < coll).astype(jnp.bfloat16)
        start = jnp.dot(nblk.astype(jnp.bfloat16), triu_x,
                        preferred_element_type=jnp.float32)
        off_tok = start * float(M)
        total = jnp.sum(nblk, axis=1, keepdims=True)

        for k in range(NTB):
            routes_k = routes_sc[pl.ds(k * BT, BT)]
            lane = lax.broadcasted_iota(jnp.int32, (BT, LANES), 1)
            sel = lane == routes_k[:, None]
            base_k = jnp.sum(jnp.where(sel, off_tok, 0.0),
                             axis=1).astype(jnp.int32)
            pos_ref[pl.ds(k * BT, BT)] = rank_sc[pl.ds(k * BT, BT)] + base_k

        rows = lax.broadcasted_iota(
            jnp.int32, (NB, LANES), 0).astype(jnp.float32)
        lanef = lax.broadcasted_iota(
            jnp.int32, (NB, LANES), 1).astype(jnp.float32)
        startb = jnp.broadcast_to(start, (NB, LANES))
        nblkb = jnp.broadcast_to(nblk, (NB, LANES))
        inblk = jnp.logical_and(rows >= startb, rows < startb + nblkb)
        be = jnp.sum(jnp.where(inblk, lanef, 0.0), axis=1, keepdims=True)
        tot = jnp.broadcast_to(total, (NB, LANES))
        lastb = tot - 1.0
        inlast = jnp.logical_and(lastb >= startb, lastb < startb + nblkb)
        belast = jnp.sum(jnp.where(inlast, lanef, 0.0), axis=1, keepdims=True)
        active = rows[:, 0:1] < tot[:, 0:1]
        bef = jnp.where(active, be, belast)
        bxf = jnp.where(active, rows[:, 0:1], lastb[:, 0:1])
        lane_i = lax.broadcasted_iota(jnp.int32, (NB, LANES), 1)
        out = jnp.where(lane_i == 0, bxf,
                        jnp.where(lane_i == 1, bef,
                                  jnp.where(lane_i == 2, tot[:, 0:1], 0.0)))
        blk_ref[...] = out.astype(jnp.int32)


def _router(xf, wg_pad, bg_pad):
    return pl.pallas_call(
        _router_body,
        grid=(NTB + 1,),
        in_specs=[
            pl.BlockSpec((BT, D), lambda i: (jnp.minimum(i, NTB - 1), 0)),
            pl.BlockSpec((D, LANES), lambda i: (0, 0)),
            pl.BlockSpec((1, LANES), lambda i: (0, 0)),
        ],
        out_specs=[
            pl.BlockSpec((T,), lambda i: (0,)),
            pl.BlockSpec((BT,), lambda i: (jnp.minimum(i, NTB - 1),)),
            pl.BlockSpec((1, LANES), lambda i: (0, 0)),
            pl.BlockSpec((1, LANES), lambda i: (0, 0)),
            pl.BlockSpec((NB, LANES), lambda i: (0, 0)),
        ],
        out_shape=[
            jax.ShapeDtypeStruct((T,), jnp.int32),
            jax.ShapeDtypeStruct((T,), jnp.float32),
            jax.ShapeDtypeStruct((1, LANES), jnp.float32),
            jax.ShapeDtypeStruct((1, LANES), jnp.float32),
            jax.ShapeDtypeStruct((NB, LANES), jnp.int32),
        ],
        scratch_shapes=[
            pltpu.VMEM((T,), jnp.int32),
            pltpu.VMEM((T,), jnp.int32),
            pltpu.VMEM((8, LANES), jnp.float32),
            pltpu.VMEM((8, LANES), jnp.float32),
        ],
    )(xf, wg_pad, bg_pad)


_NC, _NS = 2, 16
_NW = _NC * _NS
_TPW = T // _NW


@functools.cache
def _sc_kernels():
    mesh = plsc.VectorSubcoreMesh(
        core_axis_name="c", subcore_axis_name="s", num_cores=_NC)

    @functools.partial(
        pl.kernel,
        mesh=mesh,
        out_type=jax.ShapeDtypeStruct((P, D), jnp.float32),
        scratch_types=[
            pltpu.VMEM((_TPW,), jnp.int32),
            pltpu.VMEM((_TPW, D), jnp.float32),
            pltpu.SemaphoreType.DMA,
        ],
    )
    def sc_scatter(xf_hbm, pos_hbm, xs_hbm, idx_v, rows_v, sem):
        wid = lax.axis_index("s") * _NC + lax.axis_index("c")
        pltpu.sync_copy(pos_hbm.at[wid], idx_v)
        pltpu.sync_copy(xf_hbm.at[pl.ds(wid * _TPW, _TPW)], rows_v)
        pltpu.async_copy(rows_v, xs_hbm.at[idx_v], sem).wait()

    @functools.partial(
        pl.kernel,
        mesh=mesh,
        out_type=jax.ShapeDtypeStruct((T, D), jnp.float32),
        scratch_types=[
            pltpu.VMEM((_TPW,), jnp.int32),
            pltpu.VMEM((_TPW, D), jnp.float32),
            pltpu.SemaphoreType.DMA,
        ],
    )
    def sc_gather(ys_hbm, pos_hbm, out_hbm, idx_v, rows_v, sem):
        wid = lax.axis_index("s") * _NC + lax.axis_index("c")
        pltpu.sync_copy(pos_hbm.at[wid], idx_v)
        pltpu.async_copy(ys_hbm.at[idx_v], rows_v, sem).wait()
        pltpu.sync_copy(rows_v, out_hbm.at[pl.ds(wid * _TPW, _TPW)])

    return sc_scatter, sc_gather


def _sc_scatter(xf, pos2d):
    return _sc_kernels()[0](xf, pos2d)


def _sc_gather(ys, pos2d):
    return _sc_kernels()[1](ys, pos2d)


def _ffn_body(bx_sm, be_sm, nb_sm, xs_ref, w1_ref, b1_ref, w2_ref, b2_ref,
              out_ref):
    i = pl.program_id(0)

    @pl.when(i < nb_sm[0])
    def _():
        xb = xs_ref[...].astype(jnp.bfloat16)
        h = jnp.dot(xb, w1_ref[0].astype(jnp.bfloat16),
                    preferred_element_type=jnp.float32) + b1_ref[0]
        h = jnp.maximum(h, 0.0).astype(jnp.bfloat16)
        out_ref[...] = jnp.dot(h, w2_ref[0].astype(jnp.bfloat16),
                               preferred_element_type=jnp.float32) + b2_ref[0]


def _ffn(bx, be, nb, xs, w1, b1, w2, b2):
    grid_spec = pltpu.PrefetchScalarGridSpec(
        num_scalar_prefetch=3,
        grid=(NB,),
        in_specs=[
            pl.BlockSpec((M, D), lambda i, bx, be, nb: (bx[i], 0)),
            pl.BlockSpec((1, D, F), lambda i, bx, be, nb: (be[i], 0, 0)),
            pl.BlockSpec((1, 1, F), lambda i, bx, be, nb: (be[i], 0, 0)),
            pl.BlockSpec((1, F, D), lambda i, bx, be, nb: (be[i], 0, 0)),
            pl.BlockSpec((1, 1, D), lambda i, bx, be, nb: (be[i], 0, 0)),
        ],
        out_specs=pl.BlockSpec((M, D), lambda i, bx, be, nb: (bx[i], 0)),
    )
    return pl.pallas_call(
        _ffn_body,
        grid_spec=grid_spec,
        out_shape=jax.ShapeDtypeStruct((P, D), jnp.float32),
    )(bx, be, nb, xs, w1, b1.reshape(E, 1, F), w2, b2.reshape(E, 1, D))


def kernel(x, Wg, bg, W1, b1, W2, b2):
    xf = x.reshape(T, D)
    wg_pad = jnp.zeros((D, LANES), jnp.float32).at[:, :E].set(Wg)
    bg_pad = jnp.full((1, LANES), NEG, jnp.float32).at[0, :E].set(bg)

    pos, rpm, counts, rps, blk = _router(xf, wg_pad, bg_pad)

    xs = _sc_scatter(xf, pos.reshape(_NW, _TPW))
    final = _sc_gather(xs, pos.reshape(_NW, _TPW))

    return (final.reshape(S, B, D), counts[0, :E], rps[0, :E], 0, rpm)

# --- scband reference (transcript-rebuilt; emitter-appended) ---
"""Pipeline reference for scband-switch-feed-forward-56315611185980 (READ-ONLY COPY).

The authoritative reference and input builder live on the scoring server;
editing this copy changes nothing except your own understanding.
"""

import jax, jax.numpy as jnp
import numpy as np

S, B, D, E, F = 2048, 2, 768, 8, 3072


def setup_inputs(seed: int = 0):
    key = jax.random.key(seed)
    ks = jax.random.split(key, 8)
    x = jax.random.normal(ks[0], (S, B, D), dtype=jnp.float32)
    Wg = jax.random.normal(ks[1], (D, E), dtype=jnp.float32) * 0.02
    bg = jnp.zeros((E,), dtype=jnp.float32)
    W1 = jax.random.normal(ks[2], (E, D, F), dtype=jnp.float32) * 0.02
    b1 = jnp.zeros((E, F), dtype=jnp.float32)
    W2 = jax.random.normal(ks[3], (E, F, D), dtype=jnp.float32) * 0.02
    b2 = jnp.zeros((E, D), dtype=jnp.float32)
    return {"x": x, "Wg": Wg, "bg": bg, "W1": W1, "b1": b1, "W2": W2, "b2": b2}


def reference(x, Wg, bg, W1, b1, W2, b2):
    seq_len, batch_size, d_model = x.shape
    xf = x.reshape(-1, d_model)                       # [T, D]
    logits = xf @ Wg + bg                             # switch linear
    route_prob = jax.nn.softmax(logits, axis=-1)      # [T, E]
    route_prob_max = jnp.max(route_prob, axis=-1)     # [T]
    routes = jnp.argmax(route_prob, axis=-1)          # [T]
    n_experts = Wg.shape[1]
    # one-hot dispatch (mathematically equal to per-expert gather/scatter,
    # drop_tokens=False so no capacity dropping)
    dispatch = jax.nn.one_hot(routes, n_experts, dtype=xf.dtype)  # [T, E]
    xe = jnp.einsum('te,td->etd', dispatch, xf)       # zero rows for non-routed tokens
    h = jax.nn.relu(jnp.einsum('etd,edf->etf', xe, W1) + b1[:, None, :])
    oe = jnp.einsum('etf,efd->etd', h, W2) + b2[:, None, :]
    final_output = jnp.einsum('etd,te->td', oe, dispatch)  # combine (masks out bias of non-routed)
    # is_scale_prob=False: multiply by p/p.detach() (value 1, gradient path only)
    scale = route_prob_max / jax.lax.stop_gradient(route_prob_max)
    final_output = final_output * scale[:, None]
    final_output = final_output.reshape(seq_len, batch_size, d_model)
    counts = jnp.bincount(routes, length=n_experts).astype(jnp.float32)
    route_prob_sum = route_prob.sum(0)
    n_dropped = 0
    return (final_output, counts, route_prob_sum, n_dropped, route_prob_max)

if __name__ == "__main__":
    import jax
    _d = setup_inputs()
    print(jax.jit(kernel)(*tuple(_d.values())))

</pallas_src>

<mosaic_0001>
#map = affine_map<(d0, d1) -> (0, 0)>
module attributes {stable_mosaic.version = 14 : i64} {
  func.func @sc_gather(%arg0: i32, %arg1: i32, %arg2: memref<8192x768xf32, #tpu.memory_space<hbm>>, %arg3: memref<32x128xi32, #tpu.memory_space<hbm>>, %arg4: memref<4096x768xf32, #tpu.memory_space<hbm>>, %arg5: memref<128xi32, #tpu.memory_space<vmem>>, %arg6: memref<128x768xf32, #tpu.memory_space<vmem>>, %arg7: memref<!tpu.dma_semaphore, #tpu.memory_space<semaphore_mem>>) attributes {dimension_semantics = [#tpu.dimension_semantics<core_parallel>, #tpu.dimension_semantics<subcore_parallel>], iteration_bounds = array<i64: 2, 16>, scalar_prefetch = 0 : i64, scratch_operands = 3 : i64, tpu.core_type = #tpu.core_type<sc_vector_subcore>, window_params = [{transform_indices = #map}, {transform_indices = #map}, {transform_indices = #map}]} {
    %mul3A = arith.constant 2 : i32
    %mul3A_0 = arith.muli %arg1, %mul3A : i32
    %add3A = arith.addi %mul3A_0, %arg0 : i32
    "tpu.region"() ({
      %run_scoped3A = tpu.sem_alloc : memref<!tpu.dma_semaphore, #tpu.memory_space<semaphore_mem>>
      %dma_start3A_7 = arith.constant 0 : i32
      %dma_start3A_8 = tpu.memref_slice %arg3[%add3A, %dma_start3A_7] : memref<32x128xi32, #tpu.memory_space<hbm>> -> memref<1x128xi32, #tpu.memory_space<hbm>>
      %dma_start3A_9 = tpu.memref_squeeze %dma_start3A_8 : memref<1x128xi32, #tpu.memory_space<hbm>> -> memref<128xi32, #tpu.memory_space<hbm>>
      %dma_start3A_10 = arith.constant 0 : i32
      %dma_start3A_11 = tpu.memref_slice %arg3[%add3A, %dma_start3A_10] : memref<32x128xi32, #tpu.memory_space<hbm>> -> memref<1x128xi32, #tpu.memory_space<hbm>>
      %dma_start3A_12 = tpu.memref_squeeze %dma_start3A_11 : memref<1x128xi32, #tpu.memory_space<hbm>> -> memref<128xi32, #tpu.memory_space<hbm>>
      tpu.enqueue_dma source(%dma_start3A_12 : memref<128xi32, #tpu.memory_space<hbm>>) target(%arg5 : memref<128xi32, #tpu.memory_space<vmem>>) target_semaphore(%run_scoped3A : memref<!tpu.dma_semaphore, #tpu.memory_space<semaphore_mem>>)
      %dma_wait3A_13 = arith.constant 0 : i32
      %dma_wait3A_14 = tpu.memref_slice %arg3[%add3A, %dma_wait3A_13] : memref<32x128xi32, #tpu.memory_space<hbm>> -> memref<1x128xi32, #tpu.memory_space<hbm>>
      %dma_wait3A_15 = tpu.memref_squeeze %dma_wait3A_14 : memref<1x128xi32, #tpu.memory_space<hbm>> -> memref<128xi32, #tpu.memory_space<hbm>>
      %dma_wait3A_16 = arith.constant 0 : i32
      %dma_wait3A_17 = tpu.memref_slice %arg3[%add3A, %dma_wait3A_16] : memref<32x128xi32, #tpu.memory_space<hbm>> -> memref<1x128xi32, #tpu.memory_space<hbm>>
      %dma_wait3A_18 = tpu.memref_squeeze %dma_wait3A_17 : memref<1x128xi32, #tpu.memory_space<hbm>> -> memref<128xi32, #tpu.memory_space<hbm>>
      tpu.wait_dma2 semaphore(%run_scoped3A : memref<!tpu.dma_semaphore, #tpu.memory_space<semaphore_mem>>) src(%dma_wait3A_18 : memref<128xi32, #tpu.memory_space<hbm>>) dst(%arg5 : memref<128xi32, #tpu.memory_space<vmem>>)
      tpu.yield
    }) : () -> ()
    %dma_start3A = arith.constant 0 : i32
    %dma_start3A_1 = arith.constant 0 : i32
    %dma_start3A_2 = tpu.memref_slice %arg2[%dma_start3A, %dma_start3A_1] : memref<8192x768xf32, #tpu.memory_space<hbm>> -> memref<8192x768xf32, #tpu.memory_space<hbm>>
    tpu.enqueue_indirect_dma source(%dma_start3A_2 : memref<8192x768xf32, #tpu.memory_space<hbm>>) target(%arg6 : memref<128x768xf32, #tpu.memory_space<vmem>>) offsets(%arg5 : memref<128xi32, #tpu.memory_space<vmem>>) semaphore(%arg7 : memref<!tpu.dma_semaphore, #tpu.memory_space<semaphore_mem>>)
    %dma_wait3A = arith.constant 0 : i32
    %dma_wait3A_3 = arith.constant 0 : i32
    %dma_wait3A_4 = tpu.memref_slice %arg2[%dma_wait3A, %dma_wait3A_3] : memref<8192x768xf32, #tpu.memory_space<hbm>> -> memref<8192x768xf32, #tpu.memory_space<hbm>>
    tpu.wait_indirect_dma semaphore(%arg7 : memref<!tpu.dma_semaphore, #tpu.memory_space<semaphore_mem>>) src(%dma_wait3A_4 : memref<8192x768xf32, #tpu.memory_space<hbm>>) dst(%arg6 : memref<128x768xf32, #tpu.memory_space<vmem>>)
    %mul3A_5 = arith.constant 128 : i32
    %mul3A_6 = arith.muli %add3A, %mul3A_5 : i32
    "tpu.region"() ({
      %run_scoped3A = tpu.sem_alloc : memref<!tpu.dma_semaphore, #tpu.memory_space<semaphore_mem>>
      %dma_start3A_7 = arith.constant 0 : i32
      %dma_start3A_8 = tpu.memref_slice %arg4[%mul3A_6, %dma_start3A_7] : memref<4096x768xf32, #tpu.memory_space<hbm>> -> memref<128x768xf32, #tpu.memory_space<hbm>>
      %dma_start3A_9 = arith.constant 0 : i32
      %dma_start3A_10 = tpu.memref_slice %arg4[%mul3A_6, %dma_start3A_9] : memref<4096x768xf32, #tpu.memory_space<hbm>> -> memref<128x768xf32, #tpu.memory_space<hbm>>
      tpu.enqueue_dma source(%arg6 : memref<128x768xf32, #tpu.memory_space<vmem>>) target(%dma_start3A_10 : memref<128x768xf32, #tpu.memory_space<hbm>>) target_semaphore(%run_scoped3A : memref<!tpu.dma_semaphore, #tpu.memory_space<semaphore_mem>>)
      %dma_wait3A_11 = arith.constant 0 : i32
      %dma_wait3A_12 = tpu.memref_slice %arg4[%mul3A_6, %dma_wait3A_11] : memref<4096x768xf32, #tpu.memory_space<hbm>> -> memref<128x768xf32, #tpu.memory_space<hbm>>
      %dma_wait3A_13 = arith.constant 0 : i32
      %dma_wait3A_14 = tpu.memref_slice %arg4[%mul3A_6, %dma_wait3A_13] : memref<4096x768xf32, #tpu.memory_space<hbm>> -> memref<128x768xf32, #tpu.memory_space<hbm>>
      tpu.wait_dma2 semaphore(%run_scoped3A : memref<!tpu.dma_semaphore, #tpu.memory_space<semaphore_mem>>) src(%arg6 : memref<128x768xf32, #tpu.memory_space<vmem>>) dst(%dma_wait3A_14 : memref<128x768xf32, #tpu.memory_space<hbm>>)
      tpu.yield
    }) : () -> ()
    return
  }
}

#map = affine_map<(d0, d1) -> (0, 0)>
module attributes {stable_mosaic.version = 14 : i64} {
  func.func @sc_scatter(%arg0: i32, %arg1: i32, %arg2: memref<4096x768xf32, #tpu.memory_space<hbm>>, %arg3: memref<32x128xi32, #tpu.memory_space<hbm>>, %arg4: memref<8192x768xf32, #tpu.memory_space<hbm>>, %arg5: memref<128xi32, #tpu.memory_space<vmem>>, %arg6: memref<128x768xf32, #tpu.memory_space<vmem>>, %arg7: memref<!tpu.dma_semaphore, #tpu.memory_space<semaphore_mem>>) attributes {dimension_semantics = [#tpu.dimension_semantics<core_parallel>, #tpu.dimension_semantics<subcore_parallel>], iteration_bounds = array<i64: 2, 16>, scalar_prefetch = 0 : i64, scratch_operands = 3 : i64, tpu.core_type = #tpu.core_type<sc_vector_subcore>, window_params = [{transform_indices = #map}, {transform_indices = #map}, {transform_indices = #map}]} {
    %mul3A = arith.constant 2 : i32
    %mul3A_0 = arith.muli %arg1, %mul3A : i32
    %add3A = arith.addi %mul3A_0, %arg0 : i32
    "tpu.region"() ({
      %run_scoped3A = tpu.sem_alloc : memref<!tpu.dma_semaphore, #tpu.memory_space<semaphore_mem>>
      %dma_start3A_7 = arith.constant 0 : i32
      %dma_start3A_8 = tpu.memref_slice %arg3[%add3A, %dma_start3A_7] : memref<32x128xi32, #tpu.memory_space<hbm>> -> memref<1x128xi32, #tpu.memory_space<hbm>>
      %dma_start3A_9 = tpu.memref_squeeze %dma_start3A_8 : memref<1x128xi32, #tpu.memory_space<hbm>> -> memref<128xi32, #tpu.memory_space<hbm>>
      %dma_start3A_10 = arith.constant 0 : i32
      %dma_start3A_11 = tpu.memref_slice %arg3[%add3A, %dma_start3A_10] : memref<32x128xi32, #tpu.memory_space<hbm>> -> memref<1x128xi32, #tpu.memory_space<hbm>>
      %dma_start3A_12 = tpu.memref_squeeze %dma_start3A_11 : memref<1x128xi32, #tpu.memory_space<hbm>> -> memref<128xi32, #tpu.memory_space<hbm>>
      tpu.enqueue_dma source(%dma_start3A_12 : memref<128xi32, #tpu.memory_space<hbm>>) target(%arg5 : memref<128xi32, #tpu.memory_space<vmem>>) target_semaphore(%run_scoped3A : memref<!tpu.dma_semaphore, #tpu.memory_space<semaphore_mem>>)
      %dma_wait3A_13 = arith.constant 0 : i32
      %dma_wait3A_14 = tpu.memref_slice %arg3[%add3A, %dma_wait3A_13] : memref<32x128xi32, #tpu.memory_space<hbm>> -> memref<1x128xi32, #tpu.memory_space<hbm>>
      %dma_wait3A_15 = tpu.memref_squeeze %dma_wait3A_14 : memref<1x128xi32, #tpu.memory_space<hbm>> -> memref<128xi32, #tpu.memory_space<hbm>>
      %dma_wait3A_16 = arith.constant 0 : i32
      %dma_wait3A_17 = tpu.memref_slice %arg3[%add3A, %dma_wait3A_16] : memref<32x128xi32, #tpu.memory_space<hbm>> -> memref<1x128xi32, #tpu.memory_space<hbm>>
      %dma_wait3A_18 = tpu.memref_squeeze %dma_wait3A_17 : memref<1x128xi32, #tpu.memory_space<hbm>> -> memref<128xi32, #tpu.memory_space<hbm>>
      tpu.wait_dma2 semaphore(%run_scoped3A : memref<!tpu.dma_semaphore, #tpu.memory_space<semaphore_mem>>) src(%dma_wait3A_18 : memref<128xi32, #tpu.memory_space<hbm>>) dst(%arg5 : memref<128xi32, #tpu.memory_space<vmem>>)
      tpu.yield
    }) : () -> ()
    %mul3A_1 = arith.constant 128 : i32
    %mul3A_2 = arith.muli %add3A, %mul3A_1 : i32
    "tpu.region"() ({
      %run_scoped3A = tpu.sem_alloc : memref<!tpu.dma_semaphore, #tpu.memory_space<semaphore_mem>>
      %dma_start3A_7 = arith.constant 0 : i32
      %dma_start3A_8 = tpu.memref_slice %arg2[%mul3A_2, %dma_start3A_7] : memref<4096x768xf32, #tpu.memory_space<hbm>> -> memref<128x768xf32, #tpu.memory_space<hbm>>
      %dma_start3A_9 = arith.constant 0 : i32
      %dma_start3A_10 = tpu.memref_slice %arg2[%mul3A_2, %dma_start3A_9] : memref<4096x768xf32, #tpu.memory_space<hbm>> -> memref<128x768xf32, #tpu.memory_space<hbm>>
      tpu.enqueue_dma source(%dma_start3A_10 : memref<128x768xf32, #tpu.memory_space<hbm>>) target(%arg6 : memref<128x768xf32, #tpu.memory_space<vmem>>) target_semaphore(%run_scoped3A : memref<!tpu.dma_semaphore, #tpu.memory_space<semaphore_mem>>)
      %dma_wait3A_11 = arith.constant 0 : i32
      %dma_wait3A_12 = tpu.memref_slice %arg2[%mul3A_2, %dma_wait3A_11] : memref<4096x768xf32, #tpu.memory_space<hbm>> -> memref<128x768xf32, #tpu.memory_space<hbm>>
      %dma_wait3A_13 = arith.constant 0 : i32
      %dma_wait3A_14 = tpu.memref_slice %arg2[%mul3A_2, %dma_wait3A_13] : memref<4096x768xf32, #tpu.memory_space<hbm>> -> memref<128x768xf32, #tpu.memory_space<hbm>>
      tpu.wait_dma2 semaphore(%run_scoped3A : memref<!tpu.dma_semaphore, #tpu.memory_space<semaphore_mem>>) src(%dma_wait3A_14 : memref<128x768xf32, #tpu.memory_space<hbm>>) dst(%arg6 : memref<128x768xf32, #tpu.memory_space<vmem>>)
      tpu.yield
    }) : () -> ()
    %dma_start3A = arith.constant 0 : i32
    %dma_start3A_3 = arith.constant 0 : i32
    %dma_start3A_4 = tpu.memref_slice %arg4[%dma_start3A, %dma_start3A_3] : memref<8192x768xf32, #tpu.memory_space<hbm>> -> memref<8192x768xf32, #tpu.memory_space<hbm>>
    tpu.enqueue_indirect_dma source(%arg6 : memref<128x768xf32, #tpu.memory_space<vmem>>) target(%dma_start3A_4 : memref<8192x768xf32, #tpu.memory_space<hbm>>) offsets(%arg5 : memref<128xi32, #tpu.memory_space<vmem>>) semaphore(%arg7 : memref<!tpu.dma_semaphore, #tpu.memory_space<semaphore_mem>>)
    %dma_wait3A = arith.constant 0 : i32
    %dma_wait3A_5 = arith.constant 0 : i32
    %dma_wait3A_6 = tpu.memref_slice %arg4[%dma_wait3A, %dma_wait3A_5] : memref<8192x768xf32, #tpu.memory_space<hbm>> -> memref<8192x768xf32, #tpu.memory_space<hbm>>
    tpu.wait_indirect_dma semaphore(%arg7 : memref<!tpu.dma_semaphore, #tpu.memory_space<semaphore_mem>>) src(%arg6 : memref<128x768xf32, #tpu.memory_space<vmem>>) dst(%dma_wait3A_6 : memref<8192x768xf32, #tpu.memory_space<hbm>>)
    return
  }
}

module attributes {stable_mosaic.version = 14 : i64} {
  func.func @_router_body(%arg0: i32, %arg1: memref<512x768xf32, #tpu.memory_space<vmem>>, %arg2: memref<768x128xf32, #tpu.memory_space<vmem>>, %arg3: memref<1x128xf32, #tpu.memory_space<vmem>>, %arg4: memref<4096xi32, #tpu.memory_space<vmem>>, %arg5: memref<512xf32, #tpu.memory_space<vmem>>, %arg6: memref<1x128xf32, #tpu.memory_space<vmem>>, %arg7: memref<1x128xf32, #tpu.memory_space<vmem>>, %arg8: memref<16x128xi32, #tpu.memory_space<vmem>>, %arg9: memref<4096xi32, #tpu.memory_space<vmem>>, %arg10: memref<4096xi32, #tpu.memory_space<vmem>>, %arg11: memref<8x128xf32, #tpu.memory_space<vmem>>, %arg12: memref<8x128xf32, #tpu.memory_space<vmem>>) attributes {dimension_semantics = [#tpu.dimension_semantics<arbitrary>], iteration_bounds = array<i64: 9>, scalar_prefetch = 0 : i64, scratch_operands = 4 : i64, tpu.core_type = #tpu.core_type<tc>, window_params = [{transform_indices = @transform_0, window_bounds = array<i64: 512, 768>}, {pipeline_mode = #tpu.pipeline_mode<synchronous>, transform_indices = @transform_1, window_bounds = array<i64: 768, 128>}, {pipeline_mode = #tpu.pipeline_mode<synchronous>, transform_indices = @transform_2, window_bounds = array<i64: 1, 128>}, {pipeline_mode = #tpu.pipeline_mode<synchronous>, transform_indices = @transform_3, window_bounds = array<i64: 4096>}, {transform_indices = @transform_4, window_bounds = array<i64: 512>}, {pipeline_mode = #tpu.pipeline_mode<synchronous>, transform_indices = @transform_5, window_bounds = array<i64: 1, 128>}, {pipeline_mode = #tpu.pipeline_mode<synchronous>, transform_indices = @transform_6, window_bounds = array<i64: 1, 128>}, {pipeline_mode = #tpu.pipeline_mode<synchronous>, transform_indices = @transform_7, window_bounds = array<i64: 16, 128>}]} {
    %eq3A = arith.constant 0 : i32
    %eq3A_0 = arith.cmpi eq, %arg0, %eq3A : i32
    %convert_element_type3A = arith.extui %eq3A_0 : i1 to i32
    %cond3A = arith.constant 0 : i32
    %cond3A_1 = arith.cmpi ne, %convert_element_type3A, %cond3A : i32
    scf.if %cond3A_1 {
      %broadcast_in_dim3A = arith.constant 0.000000e+00 : f32
      %broadcast_in_dim3A_11 = vector.broadcast %broadcast_in_dim3A : f32 to vector<8x128xf32>
      %swap3A = arith.constant 0 : index
      %swap3A_12 = arith.constant 0 : index
      %swap3A_13 = vector.load %arg11[%swap3A, %swap3A_12] : memref<8x128xf32, #tpu.memory_space<vmem>>, vector<8x128xf32>
      tpu.vector_store %arg11[%swap3A, %swap3A_12], %broadcast_in_dim3A_11 {strides = array<i32>} : memref<8x128xf32, #tpu.memory_space<vmem>>, vector<8x128xf32>,
      %broadcast_in_dim3A_14 = arith.constant 0.000000e+00 : f32
      %broadcast_in_dim3A_15 = vector.broadcast %broadcast_in_dim3A_14 : f32 to vector<8x128xf32>
      %swap3A_16 = arith.constant 0 : index
      %swap3A_17 = arith.constant 0 : index
      %swap3A_18 = vector.load %arg12[%swap3A_16, %swap3A_17] : memref<8x128xf32, #tpu.memory_space<vmem>>, vector<8x128xf32>
      tpu.vector_store %arg12[%swap3A_16, %swap3A_17], %broadcast_in_dim3A_15 {strides = array<i32>} : memref<8x128xf32, #tpu.memory_space<vmem>>, vector<8x128xf32>,
    } else {
    }
    %lt3A = arith.constant 8 : i32
    %lt3A_2 = arith.cmpi slt, %arg0, %lt3A : i32
    %convert_element_type3A_3 = arith.extui %lt3A_2 : i1 to i32
    %cond3A_4 = arith.constant 0 : i32
    %cond3A_5 = arith.cmpi ne, %convert_element_type3A_3, %cond3A_4 : i32
    scf.if %cond3A_5 {
      %get3A = arith.constant 0 : index
      %get3A_11 = arith.constant 0 : index
      %get3A_12 = vector.load %arg1[%get3A, %get3A_11] : memref<512x768xf32, #tpu.memory_space<vmem>>, vector<512x768xf32>
      %get3A_13 = arith.constant 0 : index
      %get3A_14 = arith.constant 0 : index
      %get3A_15 = vector.load %arg2[%get3A_13, %get3A_14] : memref<768x128xf32, #tpu.memory_space<vmem>>, vector<768x128xf32>
      %dot_general3A = arith.constant dense<0.000000e+00> : vector<512x128xf32>
      %dot_general3A_16 = tpu.matmul %get3A_12, %get3A_15, %dot_general3A {dimension_numbers = #tpu.dot_dimension_numbers<[1], [0], [0], [1], [0, 0, 1, 1], [], []>, transpose_lhs_hint = false} : vector<512x768xf32>, vector<768x128xf32>, vector<512x128xf32> -> vector<512x128xf32>
      %get3A_17 = arith.constant 0 : index
      %get3A_18 = arith.constant 0 : index
      %get3A_19 = vector.load %arg3[%get3A_17, %get3A_18] : memref<1x128xf32, #tpu.memory_space<vmem>>, vector<1x128xf32>
      %add3A = vector.broadcast %get3A_19 : vector<1x128xf32> to vector<512x128xf32>
      %add3A_20 = arith.addf %dot_general3A_16, %add3A : vector<512x128xf32>
      %reduce_max3A = arith.constant dense<0xFF800000> : vector<512xf32>
      %reduce_max3A_21 = vector.multi_reduction <maximumf>, %add3A_20, %reduce_max3A [1] : vector<512x128xf32> to vector<512xf32>
      %broadcast_in_dim3A = vector.shape_cast %reduce_max3A_21 : vector<512xf32> to vector<512x1xf32>
      %sub3A = vector.broadcast %broadcast_in_dim3A : vector<512x1xf32> to vector<512x128xf32>
      %sub3A_22 = arith.subf %add3A_20, %sub3A : vector<512x128xf32>
      %exp3A = math.exp %sub3A_22 : vector<512x128xf32>
      %reduce_sum3A = arith.constant dense<0.000000e+00> : vector<512xf32>
      %reduce_sum3A_23 = vector.multi_reduction <add>, %exp3A, %reduce_sum3A [1] : vector<512x128xf32> to vector<512xf32>
      %broadcast_in_dim3A_24 = vector.shape_cast %reduce_sum3A_23 : vector<512xf32> to vector<512x1xf32>
      %div3A = vector.broadcast %broadcast_in_dim3A_24 : vector<512x1xf32> to vector<512x128xf32>
      %div3A_25 = arith.divf %exp3A, %div3A : vector<512x128xf32>
      %argmax3A = tpu.reduce_index %div3A_25 {axis = 1 : i32, kind = #tpu.reduction_kind<arg_max>} : vector<512x128xf32> -> vector<512xi32>
      %div3A_26 = arith.constant 1.000000e+00 : f32
      %div3A_27 = vector.broadcast %div3A_26 : f32 to vector<512x1xf32>
      %div3A_28 = arith.divf %div3A_27, %broadcast_in_dim3A_24 : vector<512x1xf32>
      %squeeze3A = vector.shape_cast %div3A_28 : vector<512x1xf32> to vector<512xf32>
      %swap3A = arith.constant 0 : index
      %swap3A_29 = vector.load %arg5[%swap3A] : memref<512xf32, #tpu.memory_space<vmem>>, vector<512xf32>
      tpu.vector_store %arg5[%swap3A], %squeeze3A {strides = array<i32>} : memref<512xf32, #tpu.memory_space<vmem>>, vector<512xf32>,
      %mul3A = arith.constant 512 : i32
      %mul3A_30 = arith.muli %arg0, %mul3A : i32
      %swap3A_31 = arith.index_cast %mul3A_30 : i32 to index
      %swap3A_32 = vector.load %arg9[%swap3A_31] : memref<4096xi32, #tpu.memory_space<vmem>>, vector<512xi32>
      tpu.vector_store %arg9[%swap3A_31], %argmax3A {strides = array<i32>} : memref<4096xi32, #tpu.memory_space<vmem>>, vector<512xi32>,
      %iota3A = tpu.iota {dimensions = array<i32: 1>} : vector<512x128xi32>
      %broadcast_in_dim3A_33 = vector.shape_cast %argmax3A : vector<512xi32> to vector<512x1xi32>
      %eq3A_34 = vector.broadcast %broadcast_in_dim3A_33 : vector<512x1xi32> to vector<512x128xi32>
      %eq3A_35 = arith.cmpi eq, %iota3A, %eq3A_34 : vector<512x128xi32>
      %convert_element_type3A_36 = arith.extui %eq3A_35 : vector<512x128xi1> to vector<512x128xi32>
      %convert_element_type3A_37 = arith.sitofp %convert_element_type3A_36 : vector<512x128xi32> to vector<512x128xf32>
      %convert_element_type3A_38 = arith.truncf %convert_element_type3A_37 : vector<512x128xf32> to vector<512x128xbf16>
      %iota3A_39 = tpu.iota {dimensions = array<i32: 0>} : vector<512x512xi32>
      %iota3A_40 = tpu.iota {dimensions = array<i32: 1>} : vector<512x512xi32>
      %ge3A = arith.cmpi sge, %iota3A_39, %iota3A_40 : vector<512x512xi32>
      %convert_element_type3A_41 = arith.extui %ge3A : vector<512x512xi1> to vector<512x512xi32>
      %convert_element_type3A_42 = arith.sitofp %convert_element_type3A_41 : vector<512x512xi32> to vector<512x512xf32>
      %convert_element_type3A_43 = arith.truncf %convert_element_type3A_42 : vector<512x512xf32> to vector<512x512xbf16>
      %dot_general3A_44 = arith.constant dense<0.000000e+00> : vector<512x128xf32>
      %dot_general3A_45 = tpu.matmul %convert_element_type3A_43, %convert_element_type3A_38, %dot_general3A_44 {dimension_numbers = #tpu.dot_dimension_numbers<[1], [0], [0], [1], [0, 0, 1, 1], [], []>, transpose_lhs_hint = false} : vector<512x512xbf16>, vector<512x128xbf16>, vector<512x128xf32> -> vector<512x128xf32>
      %get3A_46 = arith.constant 0 : index
      %get3A_47 = arith.constant 0 : index
      %get3A_48 = vector.load %arg11[%get3A_46, %get3A_47] : memref<8x128xf32, #tpu.memory_space<vmem>>, vector<1x128xf32>
      %broadcast_in_dim3A_49 = vector.shape_cast %argmax3A : vector<512xi32> to vector<512x1xi32>
      %eq3A_50 = vector.broadcast %broadcast_in_dim3A_49 : vector<512x1xi32> to vector<512x128xi32>
      %eq3A_51 = arith.cmpi eq, %iota3A, %eq3A_50 : vector<512x128xi32>
      %sub3A_52 = arith.constant 1.000000e+00 : f32
      %sub3A_53 = vector.broadcast %sub3A_52 : f32 to vector<512x128xf32>
      %sub3A_54 = arith.subf %dot_general3A_45, %sub3A_53 : vector<512x128xf32>
      %add3A_55 = vector.broadcast %get3A_48 : vector<1x128xf32> to vector<512x128xf32>
      %add3A_56 = arith.addf %sub3A_54, %add3A_55 : vector<512x128xf32>
      %jit3A = arith.constant 0.000000e+00 : f32
      %broadcast_in_dim3A_57 = vector.broadcast %jit3A : f32 to vector<512x128xf32>
      %select_n3A = arith.select %eq3A_51, %add3A_56, %broadcast_in_dim3A_57 : vector<512x128xi1>, vector<512x128xf32>
      %reduce_sum3A_58 = arith.constant dense<0.000000e+00> : vector<512xf32>
      %reduce_sum3A_59 = vector.multi_reduction <add>, %select_n3A, %reduce_sum3A_58 [1] : vector<512x128xf32> to vector<512xf32>
      %convert_element_type3A_60 = arith.fptosi %reduce_sum3A_59 : vector<512xf32> to vector<512xi32>
      %mul3A_61 = arith.constant 512 : i32
      %mul3A_62 = arith.muli %arg0, %mul3A_61 : i32
      %swap3A_63 = arith.index_cast %mul3A_62 : i32 to index
      %swap3A_64 = vector.load %arg10[%swap3A_63] : memref<4096xi32, #tpu.memory_space<vmem>>, vector<512xi32>
      tpu.vector_store %arg10[%swap3A_63], %convert_element_type3A_60 {strides = array<i32>} : memref<4096xi32, #tpu.memory_space<vmem>>, vector<512xi32>,
      %slice3A = vector.extract_strided_slice %dot_general3A_45 {offsets = [511, 0], sizes = [1, 128], strides = [1, 1]} : vector<512x128xf32> to vector<1x128xf32>
      %add3A_65 = arith.addf %get3A_48, %slice3A : vector<1x128xf32>
      %swap3A_66 = arith.constant 0 : index
      %swap3A_67 = arith.constant 0 : index
      %swap3A_68 = vector.load %arg11[%swap3A_66, %swap3A_67] : memref<8x128xf32, #tpu.memory_space<vmem>>, vector<1x128xf32>
      tpu.vector_store %arg11[%swap3A_66, %swap3A_67], %add3A_65 {strides = array<i32>} : memref<8x128xf32, #tpu.memory_space<vmem>>, vector<1x128xf32>,
      %get3A_69 = arith.constant 0 : index
      %get3A_70 = arith.constant 0 : index
      %get3A_71 = vector.load %arg12[%get3A_69, %get3A_70] : memref<8x128xf32, #tpu.memory_space<vmem>>, vector<1x128xf32>
      %reduce_sum3A_72 = arith.constant dense<0.000000e+00> : vector<128xf32>
      %reduce_sum3A_73 = vector.multi_reduction <add>, %div3A_25, %reduce_sum3A_72 [0] : vector<512x128xf32> to vector<128xf32>
      %broadcast_in_dim3A_74 = vector.shape_cast %reduce_sum3A_73 : vector<128xf32> to vector<1x128xf32>
      %add3A_75 = arith.addf %get3A_71, %broadcast_in_dim3A_74 : vector<1x128xf32>
      %swap3A_76 = arith.constant 0 : index
      %swap3A_77 = arith.constant 0 : index
      %swap3A_78 = vector.load %arg12[%swap3A_76, %swap3A_77] : memref<8x128xf32, #tpu.memory_space<vmem>>, vector<1x128xf32>
      tpu.vector_store %arg12[%swap3A_76, %swap3A_77], %add3A_75 {strides = array<i32>} : memref<8x128xf32, #tpu.memory_space<vmem>>, vector<1x128xf32>,
      %swap3A_79 = arith.constant 0 : index
      %swap3A_80 = arith.constant 0 : index
      %swap3A_81 = vector.load %arg6[%swap3A_79, %swap3A_80] : memref<1x128xf32, #tpu.memory_space<vmem>>, vector<1x128xf32>
      tpu.vector_store %arg6[%swap3A_79, %swap3A_80], %add3A_65 {strides = array<i32>} : memref<1x128xf32, #tpu.memory_space<vmem>>, vector<1x128xf32>,
      %swap3A_82 = arith.constant 0 : index
      %swap3A_83 = arith.constant 0 : index
      %swap3A_84 = vector.load %arg7[%swap3A_82, %swap3A_83] : memref<1x128xf32, #tpu.memory_space<vmem>>, vector<1x128xf32>
      tpu.vector_store %arg7[%swap3A_82, %swap3A_83], %add3A_75 {strides = array<i32>} : memref<1x128xf32, #tpu.memory_space<vmem>>, vector<1x128xf32>,
    } else {
    }
    %eq3A_6 = arith.constant 8 : i32
    %eq3A_7 = arith.cmpi eq, %arg0, %eq3A_6 : i32
    %convert_element_type3A_8 = arith.extui %eq3A_7 : i1 to i32
    %cond3A_9 = arith.constant 0 : i32
    %cond3A_10 = arith.cmpi ne, %convert_element_type3A_8, %cond3A_9 : i32
    scf.if %cond3A_10 {
      %get3A = arith.constant 0 : index
      %get3A_11 = arith.constant 0 : index
      %get3A_12 = vector.load %arg11[%get3A, %get3A_11] : memref<8x128xf32, #tpu.memory_space<vmem>>, vector<1x128xf32>
      %add3A = arith.constant 5.110000e+02 : f32
      %add3A_13 = vector.broadcast %add3A : f32 to vector<1x128xf32>
      %add3A_14 = arith.addf %get3A_12, %add3A_13 : vector<1x128xf32>
      %mul3A = arith.constant 0.001953125 : f32
      %mul3A_15 = vector.broadcast %mul3A : f32 to vector<1x128xf32>
      %mul3A_16 = arith.mulf %add3A_14, %mul3A_15 : vector<1x128xf32>
      %floor3A = math.floor %mul3A_16 : vector<1x128xf32>
      %iota3A = tpu.iota {dimensions = array<i32: 0>} : vector<128x128xi32>
      %iota3A_17 = tpu.iota {dimensions = array<i32: 1>} : vector<128x128xi32>
      %lt3A_18 = arith.cmpi slt, %iota3A, %iota3A_17 : vector<128x128xi32>
      %convert_element_type3A_19 = arith.extui %lt3A_18 : vector<128x128xi1> to vector<128x128xi32>
      %convert_element_type3A_20 = arith.sitofp %convert_element_type3A_19 : vector<128x128xi32> to vector<128x128xf32>
      %convert_element_type3A_21 = arith.truncf %convert_element_type3A_20 : vector<128x128xf32> to vector<128x128xbf16>
      %convert_element_type3A_22 = arith.truncf %floor3A : vector<1x128xf32> to vector<1x128xbf16>
      %dot_general3A = arith.constant dense<0.000000e+00> : vector<1x128xf32>
      %dot_general3A_23 = tpu.matmul %convert_element_type3A_22, %convert_element_type3A_21, %dot_general3A {dimension_numbers = #tpu.dot_dimension_numbers<[1], [0], [0], [1], [0, 0, 1, 1], [], []>, transpose_lhs_hint = false} : vector<1x128xbf16>, vector<128x128xbf16>, vector<1x128xf32> -> vector<1x128xf32>
      %mul3A_24 = arith.constant 5.120000e+02 : f32
      %mul3A_25 = vector.broadcast %mul3A_24 : f32 to vector<1x128xf32>
      %mul3A_26 = arith.mulf %dot_general3A_23, %mul3A_25 : vector<1x128xf32>
      %reduce_sum3A = arith.constant dense<0.000000e+00> : vector<1xf32>
      %reduce_sum3A_27 = vector.multi_reduction <add>, %floor3A, %reduce_sum3A [1] : vector<1x128xf32> to vector<1xf32>
      %broadcast_in_dim3A = vector.shape_cast %reduce_sum3A_27 : vector<1xf32> to vector<1x1xf32>
      %get3A_28 = arith.constant 0 : index
      %get3A_29 = vector.load %arg9[%get3A_28] : memref<4096xi32, #tpu.memory_space<vmem>>, vector<512xi32>
      %iota3A_30 = tpu.iota {dimensions = array<i32: 1>} : vector<512x128xi32>
      %broadcast_in_dim3A_31 = vector.shape_cast %get3A_29 : vector<512xi32> to vector<512x1xi32>
      %eq3A_32 = vector.broadcast %broadcast_in_dim3A_31 : vector<512x1xi32> to vector<512x128xi32>
      %eq3A_33 = arith.cmpi eq, %iota3A_30, %eq3A_32 : vector<512x128xi32>
      %jit3A = arith.constant 0.000000e+00 : f32
      %broadcast_in_dim3A_34 = vector.shape_cast %mul3A_26 : vector<1x128xf32> to vector<1x128xf32>
      %broadcast_in_dim3A_35 = vector.broadcast %broadcast_in_dim3A_34 : vector<1x128xf32> to vector<512x128xf32>
      %broadcast_in_dim3A_36 = vector.broadcast %jit3A : f32 to vector<512x128xf32>
      %select_n3A = arith.select %eq3A_33, %broadcast_in_dim3A_35, %broadcast_in_dim3A_36 : vector<512x128xi1>, vector<512x128xf32>
      %reduce_sum3A_37 = arith.constant dense<0.000000e+00> : vector<512xf32>
      %reduce_sum3A_38 = vector.multi_reduction <add>, %select_n3A, %reduce_sum3A_37 [1] : vector<512x128xf32> to vector<512xf32>
      %convert_element_type3A_39 = arith.fptosi %reduce_sum3A_38 : vector<512xf32> to vector<512xi32>
      %get3A_40 = arith.constant 0 : index
      %get3A_41 = vector.load %arg10[%get3A_40] : memref<4096xi32, #tpu.memory_space<vmem>>, vector<512xi32>
      %add3A_42 = arith.addi %get3A_41, %convert_element_type3A_39 : vector<512xi32>
      %swap3A = arith.constant 0 : index
      %swap3A_43 = vector.load %arg4[%swap3A] : memref<4096xi32, #tpu.memory_space<vmem>>, vector<512xi32>
      tpu.vector_store %arg4[%swap3A], %add3A_42 {strides = array<i32>} : memref<4096xi32, #tpu.memory_space<vmem>>, vector<512xi32>,
      %get3A_44 = arith.constant 512 : index
      %get3A_45 = vector.load %arg9[%get3A_44] : memref<4096xi32, #tpu.memory_space<vmem>>, vector<512xi32>
      %iota3A_46 = tpu.iota {dimensions = array<i32: 1>} : vector<512x128xi32>
      %broadcast_in_dim3A_47 = vector.shape_cast %get3A_45 : vector<512xi32> to vector<512x1xi32>
      %eq3A_48 = vector.broadcast %broadcast_in_dim3A_47 : vector<512x1xi32> to vector<512x128xi32>
      %eq3A_49 = arith.cmpi eq, %iota3A_46, %eq3A_48 : vector<512x128xi32>
      %jit3A_50 = arith.constant 0.000000e+00 : f32
      %broadcast_in_dim3A_51 = vector.shape_cast %mul3A_26 : vector<1x128xf32> to vector<1x128xf32>
      %broadcast_in_dim3A_52 = vector.broadcast %broadcast_in_dim3A_51 : vector<1x128xf32> to vector<512x128xf32>
      %broadcast_in_dim3A_53 = vector.broadcast %jit3A_50 : f32 to vector<512x128xf32>
      %select_n3A_54 = arith.select %eq3A_49, %broadcast_in_dim3A_52, %broadcast_in_dim3A_53 : vector<512x128xi1>, vector<512x128xf32>
      %reduce_sum3A_55 = arith.constant dense<0.000000e+00> : vector<512xf32>
      %reduce_sum3A_56 = vector.multi_reduction <add>, %select_n3A_54, %reduce_sum3A_55 [1] : vector<512x128xf32> to vector<512xf32>
      %convert_element_type3A_57 = arith.fptosi %reduce_sum3A_56 : vector<512xf32> to vector<512xi32>
      %get3A_58 = arith.constant 512 : index
      %get3A_59 = vector.load %arg10[%get3A_58] : memref<4096xi32, #tpu.memory_space<vmem>>, vector<512xi32>
      %add3A_60 = arith.addi %get3A_59, %convert_element_type3A_57 : vector<512xi32>
      %swap3A_61 = arith.constant 512 : index
      %swap3A_62 = vector.load %arg4[%swap3A_61] : memref<4096xi32, #tpu.memory_space<vmem>>, vector<512xi32>
      tpu.vector_store %arg4[%swap3A_61], %add3A_60 {strides = array<i32>} : memref<4096xi32, #tpu.memory_space<vmem>>, vector<512xi32>,
      %get3A_63 = arith.constant 1024 : index
      %get3A_64 = vector.load %arg9[%get3A_63] : memref<4096xi32, #tpu.memory_space<vmem>>, vector<512xi32>
      %iota3A_65 = tpu.iota {dimensions = array<i32: 1>} : vector<512x128xi32>
      %broadcast_in_dim3A_66 = vector.shape_cast %get3A_64 : vector<512xi32> to vector<512x1xi32>
      %eq3A_67 = vector.broadcast %broadcast_in_dim3A_66 : vector<512x1xi32> to vector<512x128xi32>
      %eq3A_68 = arith.cmpi eq, %iota3A_65, %eq3A_67 : vector<512x128xi32>
      %jit3A_69 = arith.constant 0.000000e+00 : f32
      %broadcast_in_dim3A_70 = vector.shape_cast %mul3A_26 : vector<1x128xf32> to vector<1x128xf32>
      %broadcast_in_dim3A_71 = vector.broadcast %broadcast_in_dim3A_70 : vector<1x128xf32> to vector<512x128xf32>
      %broadcast_in_dim3A_72 = vector.broadcast %jit3A_69 : f32 to vector<512x128xf32>
      %select_n3A_73 = arith.select %eq3A_68, %broadcast_in_dim3A_71, %broadcast_in_dim3A_72 : vector<512x128xi1>, vector<512x128xf32>
      %reduce_sum3A_74 = arith.constant dense<0.000000e+00> : vector<512xf32>
      %reduce_sum3A_75 = vector.multi_reduction <add>, %select_n3A_73, %reduce_sum3A_74 [1] : vector<512x128xf32> to vector<512xf32>
      %convert_element_type3A_76 = arith.fptosi %reduce_sum3A_75 : vector<512xf32> to vector<512xi32>
      %get3A_77 = arith.constant 1024 : index
      %get3A_78 = vector.load %arg10[%get3A_77] : memref<4096xi32, #tpu.memory_space<vmem>>, vector<512xi32>
      %add3A_79 = arith.addi %get3A_78, %convert_element_type3A_76 : vector<512xi32>
      %swap3A_80 = arith.constant 1024 : index
      %swap3A_81 = vector.load %arg4[%swap3A_80] : memref<4096xi32, #tpu.memory_space<vmem>>, vector<512xi32>
      tpu.vector_store %arg4[%swap3A_80], %add3A_79 {strides = array<i32>} : memref<4096xi32, #tpu.memory_space<vmem>>, vector<512xi32>,
      %get3A_82 = arith.constant 1536 : index
      %get3A_83 = vector.load %arg9[%get3A_82] : memref<4096xi32, #tpu.memory_space<vmem>>, vector<512xi32>
      %iota3A_84 = tpu.iota {dimensions = array<i32: 1>} : vector<512x128xi32>
      %broadcast_in_dim3A_85 = vector.shape_cast %get3A_83 : vector<512xi32> to vector<512x1xi32>
      %eq3A_86 = vector.broadcast %broadcast_in_dim3A_85 : vector<512x1xi32> to vector<512x128xi32>
      %eq3A_87 = arith.cmpi eq, %iota3A_84, %eq3A_86 : vector<512x128xi32>
      %jit3A_88 = arith.constant 0.000000e+00 : f32
      %broadcast_in_dim3A_89 = vector.shape_cast %mul3A_26 : vector<1x128xf32> to vector<1x128xf32>
      %broadcast_in_dim3A_90 = vector.broadcast %broadcast_in_dim3A_89 : vector<1x128xf32> to vector<512x128xf32>
      %broadcast_in_dim3A_91 = vector.broadcast %jit3A_88 : f32 to vector<512x128xf32>
      %select_n3A_92 = arith.select %eq3A_87, %broadcast_in_dim3A_90, %broadcast_in_dim3A_91 : vector<512x128xi1>, vector<512x128xf32>
      %reduce_sum3A_93 = arith.constant dense<0.000000e+00> : vector<512xf32>
      %reduce_sum3A_94 = vector.multi_reduction <add>, %select_n3A_92, %reduce_sum3A_93 [1] : vector<512x128xf32> to vector<512xf32>
      %convert_element_type3A_95 = arith.fptosi %reduce_sum3A_94 : vector<512xf32> to vector<512xi32>
      %get3A_96 = arith.constant 1536 : index
      %get3A_97 = vector.load %arg10[%get3A_96] : memref<4096xi32, #tpu.memory_space<vmem>>, vector<512xi32>
      %add3A_98 = arith.addi %get3A_97, %convert_element_type3A_95 : vector<512xi32>
      %swap3A_99 = arith.constant 1536 : index
      %swap3A_100 = vector.load %arg4[%swap3A_99] : memref<4096xi32, #tpu.memory_space<vmem>>, vector<512xi32>
      tpu.vector_store %arg4[%swap3A_99], %add3A_98 {strides = array<i32>} : memref<4096xi32, #tpu.memory_space<vmem>>, vector<512xi32>,
      %get3A_101 = arith.constant 2048 : index
      %get3A_102 = vector.load %arg9[%get3A_101] : memref<4096xi32, #tpu.memory_space<vmem>>, vector<512xi32>
      %iota3A_103 = tpu.iota {dimensions = array<i32: 1>} : vector<512x128xi32>
      %broadcast_in_dim3A_104 = vector.shape_cast %get3A_102 : vector<512xi32> to vector<512x1xi32>
      %eq3A_105 = vector.broadcast %broadcast_in_dim3A_104 : vector<512x1xi32> to vector<512x128xi32>
      %eq3A_106 = arith.cmpi eq, %iota3A_103, %eq3A_105 : vector<512x128xi32>
      %jit3A_107 = arith.constant 0.000000e+00 : f32
      %broadcast_in_dim3A_108 = vector.shape_cast %mul3A_26 : vector<1x128xf32> to vector<1x128xf32>
      %broadcast_in_dim3A_109 = vector.broadcast %broadcast_in_dim3A_108 : vector<1x128xf32> to vector<512x128xf32>
      %broadcast_in_dim3A_110 = vector.broadcast %jit3A_107 : f32 to vector<512x128xf32>
      %select_n3A_111 = arith.select %eq3A_106, %broadcast_in_dim3A_109, %broadcast_in_dim3A_110 : vector<512x128xi1>, vector<512x128xf32>
      %reduce_sum3A_112 = arith.constant dense<0.000000e+00> : vector<512xf32>
      %reduce_sum3A_113 = vector.multi_reduction <add>, %select_n3A_111, %reduce_sum3A_112 [1] : vector<512x128xf32> to vector<512xf32>
      %convert_element_type3A_114 = arith.fptosi %reduce_sum3A_113 : vector<512xf32> to vector<512xi32>
      %get3A_115 = arith.constant 2048 : index
      %get3A_116 = vector.load %arg10[%get3A_115] : memref<4096xi32, #tpu.memory_space<vmem>>, vector<512xi32>
      %add3A_117 = arith.addi %get3A_116, %convert_element_type3A_114 : vector<512xi32>
      %swap3A_118 = arith.constant 2048 : index
      %swap3A_119 = vector.load %arg4[%swap3A_118] : memref<4096xi32, #tpu.memory_space<vmem>>, vector<512xi32>
      tpu.vector_store %arg4[%swap3A_118], %add3A_117 {strides = array<i32>} : memref<4096xi32, #tpu.memory_space<vmem>>, vector<512xi32>,
      %get3A_120 = arith.constant 2560 : index
      %get3A_121 = vector.load %arg9[%get3A_120] : memref<4096xi32, #tpu.memory_space<vmem>>, vector<512xi32>
      %iota3A_122 = tpu.iota {dimensions = array<i32: 1>} : vector<512x128xi32>
      %broadcast_in_dim3A_123 = vector.shape_cast %get3A_121 : vector<512xi32> to vector<512x1xi32>
      %eq3A_124 = vector.broadcast %broadcast_in_dim3A_123 : vector<512x1xi32> to vector<512x128xi32>
      %eq3A_125 = arith.cmpi eq, %iota3A_122, %eq3A_124 : vector<512x128xi32>
      %jit3A_126 = arith.constant 0.000000e+00 : f32
      %broadcast_in_dim3A_127 = vector.shape_cast %mul3A_26 : vector<1x128xf32> to vector<1x128xf32>
      %broadcast_in_dim3A_128 = vector.broadcast %broadcast_in_dim3A_127 : vector<1x128xf32> to vector<512x128xf32>
      %broadcast_in_dim3A_129 = vector.broadcast %jit3A_126 : f32 to vector<512x128xf32>
      %select_n3A_130 = arith.select %eq3A_125, %broadcast_in_dim3A_128, %broadcast_in_dim3A_129 : vector<512x128xi1>, vector<512x128xf32>
      %reduce_sum3A_131 = arith.constant dense<0.000000e+00> : vector<512xf32>
      %reduce_sum3A_132 = vector.multi_reduction <add>, %select_n3A_130, %reduce_sum3A_131 [1] : vector<512x128xf32> to vector<512xf32>
      %convert_element_type3A_133 = arith.fptosi %reduce_sum3A_132 : vector<512xf32> to vector<512xi32>
      %get3A_134 = arith.constant 2560 : index
      %get3A_135 = vector.load %arg10[%get3A_134] : memref<4096xi32, #tpu.memory_space<vmem>>, vector<512xi32>
      %add3A_136 = arith.addi %get3A_135, %convert_element_type3A_133 : vector<512xi32>
      %swap3A_137 = arith.constant 2560 : index
      %swap3A_138 = vector.load %arg4[%swap3A_137] : memref<4096xi32, #tpu.memory_space<vmem>>, vector<512xi32>
      tpu.vector_store %arg4[%swap3A_137], %add3A_136 {strides = array<i32>} : memref<4096xi32, #tpu.memory_space<vmem>>, vector<512xi32>,
      %get3A_139 = arith.constant 3072 : index
      %get3A_140 = vector.load %arg9[%get3A_139] : memref<4096xi32, #tpu.memory_space<vmem>>, vector<512xi32>
      %iota3A_141 = tpu.iota {dimensions = array<i32: 1>} : vector<512x128xi32>
      %broadcast_in_dim3A_142 = vector.shape_cast %get3A_140 : vector<512xi32> to vector<512x1xi32>
      %eq3A_143 = vector.broadcast %broadcast_in_dim3A_142 : vector<512x1xi32> to vector<512x128xi32>
      %eq3A_144 = arith.cmpi eq, %iota3A_141, %eq3A_143 : vector<512x128xi32>
      %jit3A_145 = arith.constant 0.000000e+00 : f32
      %broadcast_in_dim3A_146 = vector.shape_cast %mul3A_26 : vector<1x128xf32> to vector<1x128xf32>
      %broadcast_in_dim3A_147 = vector.broadcast %broadcast_in_dim3A_146 : vector<1x128xf32> to vector<512x128xf32>
      %broadcast_in_dim3A_148 = vector.broadcast %jit3A_145 : f32 to vector<512x128xf32>
      %select_n3A_149 = arith.select %eq3A_144, %broadcast_in_dim3A_147, %broadcast_in_dim3A_148 : vector<512x128xi1>, vector<512x128xf32>
      %reduce_sum3A_150 = arith.constant dense<0.000000e+00> : vector<512xf32>
      %reduce_sum3A_151 = vector.multi_reduction <add>, %select_n3A_149, %reduce_sum3A_150 [1] : vector<512x128xf32> to vector<512xf32>
      %convert_element_type3A_152 = arith.fptosi %reduce_sum3A_151 : vector<512xf32> to vector<512xi32>
      %get3A_153 = arith.constant 3072 : index
      %get3A_154 = vector.load %arg10[%get3A_153] : memref<4096xi32, #tpu.memory_space<vmem>>, vector<512xi32>
      %add3A_155 = arith.addi %get3A_154, %convert_element_type3A_152 : vector<512xi32>
      %swap3A_156 = arith.constant 3072 : index
      %swap3A_157 = vector.load %arg4[%swap3A_156] : memref<4096xi32, #tpu.memory_space<vmem>>, vector<512xi32>
      tpu.vector_store %arg4[%swap3A_156], %add3A_155 {strides = array<i32>} : memref<4096xi32, #tpu.memory_space<vmem>>, vector<512xi32>,
      %get3A_158 = arith.constant 3584 : index
      %get3A_159 = vector.load %arg9[%get3A_158] : memref<4096xi32, #tpu.memory_space<vmem>>, vector<512xi32>
      %iota3A_160 = tpu.iota {dimensions = array<i32: 1>} : vector<512x128xi32>
      %broadcast_in_dim3A_161 = vector.shape_cast %get3A_159 : vector<512xi32> to vector<512x1xi32>
      %eq3A_162 = vector.broadcast %broadcast_in_dim3A_161 : vector<512x1xi32> to vector<512x128xi32>
      %eq3A_163 = arith.cmpi eq, %iota3A_160, %eq3A_162 : vector<512x128xi32>
      %jit3A_164 = arith.constant 0.000000e+00 : f32
      %broadcast_in_dim3A_165 = vector.shape_cast %mul3A_26 : vector<1x128xf32> to vector<1x128xf32>
      %broadcast_in_dim3A_166 = vector.broadcast %broadcast_in_dim3A_165 : vector<1x128xf32> to vector<512x128xf32>
      %broadcast_in_dim3A_167 = vector.broadcast %jit3A_164 : f32 to vector<512x128xf32>
      %select_n3A_168 = arith.select %eq3A_163, %broadcast_in_dim3A_166, %broadcast_in_dim3A_167 : vector<512x128xi1>, vector<512x128xf32>
      %reduce_sum3A_169 = arith.constant dense<0.000000e+00> : vector<512xf32>
      %reduce_sum3A_170 = vector.multi_reduction <add>, %select_n3A_168, %reduce_sum3A_169 [1] : vector<512x128xf32> to vector<512xf32>
      %convert_element_type3A_171 = arith.fptosi %reduce_sum3A_170 : vector<512xf32> to vector<512xi32>
      %get3A_172 = arith.constant 3584 : index
      %get3A_173 = vector.load %arg10[%get3A_172] : memref<4096xi32, #tpu.memory_space<vmem>>, vector<512xi32>
      %add3A_174 = arith.addi %get3A_173, %convert_element_type3A_171 : vector<512xi32>
      %swap3A_175 = arith.constant 3584 : index
      %swap3A_176 = vector.load %arg4[%swap3A_175] : memref<4096xi32, #tpu.memory_space<vmem>>, vector<512xi32>
      tpu.vector_store %arg4[%swap3A_175], %add3A_174 {strides = array<i32>} : memref<4096xi32, #tpu.memory_space<vmem>>, vector<512xi32>,
      %iota3A_177 = tpu.iota {dimensions = array<i32: 0>} : vector<16x128xi32>
      %convert_element_type3A_178 = arith.sitofp %iota3A_177 : vector<16x128xi32> to vector<16x128xf32>
      %iota3A_179 = tpu.iota {dimensions = array<i32: 1>} : vector<16x128xi32>
      %convert_element_type3A_180 = arith.sitofp %iota3A_179 : vector<16x128xi32> to vector<16x128xf32>
      %broadcast_in_dim3A_181 = vector.shape_cast %dot_general3A_23 : vector<1x128xf32> to vector<1x128xf32>
      %broadcast_in_dim3A_182 = vector.broadcast %broadcast_in_dim3A_181 : vector<1x128xf32> to vector<16x128xf32>
      %broadcast_in_dim3A_183 = vector.shape_cast %floor3A : vector<1x128xf32> to vector<1x128xf32>
      %broadcast_in_dim3A_184 = vector.broadcast %broadcast_in_dim3A_183 : vector<1x128xf32> to vector<16x128xf32>
      %ge3A = arith.cmpf oge, %convert_element_type3A_178, %broadcast_in_dim3A_182 : vector<16x128xf32>
      %add3A_185 = arith.addf %broadcast_in_dim3A_182, %broadcast_in_dim3A_184 : vector<16x128xf32>
      %lt3A_186 = arith.cmpf olt, %convert_element_type3A_178, %add3A_185 : vector<16x128xf32>
      %and3A = arith.andi %ge3A, %lt3A_186 : vector<16x128xi1>
      %jit3A_187 = arith.constant 0.000000e+00 : f32
      %broadcast_in_dim3A_188 = vector.broadcast %jit3A_187 : f32 to vector<16x128xf32>
      %select_n3A_189 = arith.select %and3A, %convert_element_type3A_180, %broadcast_in_dim3A_188 : vector<16x128xi1>, vector<16x128xf32>
      %reduce_sum3A_190 = arith.constant dense<0.000000e+00> : vector<16xf32>
      %reduce_sum3A_191 = vector.multi_reduction <add>, %select_n3A_189, %reduce_sum3A_190 [1] : vector<16x128xf32> to vector<16xf32>
      %broadcast_in_dim3A_192 = vector.shape_cast %reduce_sum3A_191 : vector<16xf32> to vector<16x1xf32>
      %broadcast_in_dim3A_193 = vector.shape_cast %broadcast_in_dim3A : vector<1x1xf32> to vector<1x1xf32>
      %broadcast_in_dim3A_194 = vector.broadcast %broadcast_in_dim3A_193 : vector<1x1xf32> to vector<16x128xf32>
      %sub3A = arith.constant 1.000000e+00 : f32
      %sub3A_195 = vector.broadcast %sub3A : f32 to vector<16x128xf32>
      %sub3A_196 = arith.subf %broadcast_in_dim3A_194, %sub3A_195 : vector<16x128xf32>
      %ge3A_197 = arith.cmpf oge, %sub3A_196, %broadcast_in_dim3A_182 : vector<16x128xf32>
      %add3A_198 = arith.addf %broadcast_in_dim3A_182, %broadcast_in_dim3A_184 : vector<16x128xf32>
      %lt3A_199 = arith.cmpf olt, %sub3A_196, %add3A_198 : vector<16x128xf32>
      %and3A_200 = arith.andi %ge3A_197, %lt3A_199 : vector<16x128xi1>
      %jit3A_201 = arith.constant 0.000000e+00 : f32
      %broadcast_in_dim3A_202 = vector.broadcast %jit3A_201 : f32 to vector<16x128xf32>
      %select_n3A_203 = arith.select %and3A_200, %convert_element_type3A_180, %broadcast_in_dim3A_202 : vector<16x128xi1>, vector<16x128xf32>
      %reduce_sum3A_204 = arith.constant dense<0.000000e+00> : vector<16xf32>
      %reduce_sum3A_205 = vector.multi_reduction <add>, %select_n3A_203, %reduce_sum3A_204 [1] : vector<16x128xf32> to vector<16xf32>
      %broadcast_in_dim3A_206 = vector.shape_cast %reduce_sum3A_205 : vector<16xf32> to vector<16x1xf32>
      %slice3A = vector.extract_strided_slice %convert_element_type3A_178 {offsets = [0, 0], sizes = [16, 1], strides = [1, 1]} : vector<16x128xf32> to vector<16x1xf32>
      %slice3A_207 = vector.extract_strided_slice %broadcast_in_dim3A_194 {offsets = [0, 0], sizes = [16, 1], strides = [1, 1]} : vector<16x128xf32> to vector<16x1xf32>
      %lt3A_208 = arith.cmpf olt, %slice3A, %slice3A_207 : vector<16x1xf32>
      %select_n3A_209 = arith.select %lt3A_208, %broadcast_in_dim3A_192, %broadcast_in_dim3A_206 : vector<16x1xi1>, vector<16x1xf32>
      %slice3A_210 = vector.extract_strided_slice %convert_element_type3A_178 {offsets = [0, 0], sizes = [16, 1], strides = [1, 1]} : vector<16x128xf32> to vector<16x1xf32>
      %slice3A_211 = vector.extract_strided_slice %sub3A_196 {offsets = [0, 0], sizes = [16, 1], strides = [1, 1]} : vector<16x128xf32> to vector<16x1xf32>
      %select_n3A_212 = arith.select %lt3A_208, %slice3A_210, %slice3A_211 : vector<16x1xi1>, vector<16x1xf32>
      %iota3A_213 = tpu.iota {dimensions = array<i32: 1>} : vector<16x128xi32>
      %eq3A_214 = arith.constant 0 : i32
      %eq3A_215 = vector.broadcast %eq3A_214 : i32 to vector<16x128xi32>
      %eq3A_216 = arith.cmpi eq, %iota3A_213, %eq3A_215 : vector<16x128xi32>
      %eq3A_217 = arith.constant 1 : i32
      %eq3A_218 = vector.broadcast %eq3A_217 : i32 to vector<16x128xi32>
      %eq3A_219 = arith.cmpi eq, %iota3A_213, %eq3A_218 : vector<16x128xi32>
      %eq3A_220 = arith.constant 2 : i32
      %eq3A_221 = vector.broadcast %eq3A_220 : i32 to vector<16x128xi32>
      %eq3A_222 = arith.cmpi eq, %iota3A_213, %eq3A_221 : vector<16x128xi32>
      %slice3A_223 = vector.extract_strided_slice %broadcast_in_dim3A_194 {offsets = [0, 0], sizes = [16, 1], strides = [1, 1]} : vector<16x128xf32> to vector<16x1xf32>
      %jit3A_224 = arith.constant 0.000000e+00 : f32
      %broadcast_in_dim3A_225 = vector.shape_cast %slice3A_223 : vector<16x1xf32> to vector<16x1xf32>
      %broadcast_in_dim3A_226 = vector.broadcast %broadcast_in_dim3A_225 : vector<16x1xf32> to vector<16x128xf32>
      %broadcast_in_dim3A_227 = vector.broadcast %jit3A_224 : f32 to vector<16x128xf32>
      %select_n3A_228 = arith.select %eq3A_222, %broadcast_in_dim3A_226, %broadcast_in_dim3A_227 : vector<16x128xi1>, vector<16x128xf32>
      %broadcast_in_dim3A_229 = vector.shape_cast %select_n3A_209 : vector<16x1xf32> to vector<16x1xf32>
      %broadcast_in_dim3A_230 = vector.broadcast %broadcast_in_dim3A_229 : vector<16x1xf32> to vector<16x128xf32>
      %select_n3A_231 = arith.select %eq3A_219, %broadcast_in_dim3A_230, %select_n3A_228 : vector<16x128xi1>, vector<16x128xf32>
      %broadcast_in_dim3A_232 = vector.shape_cast %select_n3A_212 : vector<16x1xf32> to vector<16x1xf32>
      %broadcast_in_dim3A_233 = vector.broadcast %broadcast_in_dim3A_232 : vector<16x1xf32> to vector<16x128xf32>
      %select_n3A_234 = arith.select %eq3A_216, %broadcast_in_dim3A_233, %select_n3A_231 : vector<16x128xi1>, vector<16x128xf32>
      %convert_element_type3A_235 = arith.fptosi %select_n3A_234 : vector<16x128xf32> to vector<16x128xi32>
      %swap3A_236 = arith.constant 0 : index
      %swap3A_237 = arith.constant 0 : index
      %swap3A_238 = vector.load %arg8[%swap3A_236, %swap3A_237] : memref<16x128xi32, #tpu.memory_space<vmem>>, vector<16x128xi32>
      tpu.vector_store %arg8[%swap3A_236, %swap3A_237], %convert_element_type3A_235 {strides = array<i32>} : memref<16x128xi32, #tpu.memory_space<vmem>>, vector<16x128xi32>,
    } else {
    }
    return
  }
  func.func @transform_0(%arg0: i32) -> (i32, i32) {
    %min3A = arith.constant 7 : i32
    %min3A_0 = arith.minsi %arg0, %min3A : i32
    %c0_i32 = arith.constant 0 : i32
    %c0_i32_1 = arith.constant 0 : i32
    return %min3A_0, %c0_i32 : i32, i32
  }
  func.func @transform_1(%arg0: i32) -> (i32, i32) {
    %c0_i32 = arith.constant 0 : i32
    %c0_i32_0 = arith.constant 0 : i32
    %c0_i32_1 = arith.constant 0 : i32
    return %c0_i32, %c0_i32_0 : i32, i32
  }
  func.func @transform_2(%arg0: i32) -> (i32, i32) {
    %c0_i32 = arith.constant 0 : i32
    %c0_i32_0 = arith.constant 0 : i32
    %c0_i32_1 = arith.constant 0 : i32
    return %c0_i32, %c0_i32_0 : i32, i32
  }
  func.func @transform_3(%arg0: i32) -> i32 {
    %c0_i32 = arith.constant 0 : i32
    %c0_i32_0 = arith.constant 0 : i32
    return %c0_i32 : i32
  }
  func.func @transform_4(%arg0: i32) -> i32 {
    %min3A = arith.constant 7 : i32
    %min3A_0 = arith.minsi %arg0, %min3A : i32
    %c0_i32 = arith.constant 0 : i32
    return %min3A_0 : i32
  }
  func.func @transform_5(%arg0: i32) -> (i32, i32) {
    %c0_i32 = arith.constant 0 : i32
    %c0_i32_0 = arith.constant 0 : i32
    %c0_i32_1 = arith.constant 0 : i32
    return %c0_i32, %c0_i32_0 : i32, i32
  }
  func.func @transform_6(%arg0: i32) -> (i32, i32) {
    %c0_i32 = arith.constant 0 : i32
    %c0_i32_0 = arith.constant 0 : i32
    %c0_i32_1 = arith.constant 0 : i32
    return %c0_i32, %c0_i32_0 : i32, i32
  }
  func.func @transform_7(%arg0: i32) -> (i32, i32) {
    %c0_i32 = arith.constant 0 : i32
    %c0_i32_0 = arith.constant 0 : i32
    %c0_i32_1 = arith.constant 0 : i32
    return %c0_i32, %c0_i32_0 : i32, i32
  }
}

</mosaic_0001>

<sc_bundles>
// kernel: kernel.5.cloned.1.call-start
scs
__scs_entry_jumppad:
0x0: {  	(pc) =	sbr.rel $0x88, $3  }
0x1: {  	(tag) =	ssettag $0x0;
	lr =	simm.s32 $0x1  }
0x2: {  	[smem:$0x3F9E] =	sst lr;
	_ =	strace $0xD0000000  }
0x3: {  	_ = 	snop  }
0x4: {  	_ = 	snop  }
0x5: {  	_ = 	snop  }
0x6: {  	_ = 	snop  }
0x7: {  	_ = 	snop  }
__scs_overlays_trampoline_lowered:
0x8: {  	[smem:$0x3FAD] =	sst s0  }
0x9: {  	[smem:$0x3FAE] =	sst s1  }
0xa: {  	[smem:$0x3FAF] =	sst s2  }
0xb: {  	[smem:$0x3FB0] =	sst s3  }
0xc: {  	[smem:$0x3FB1] =	sst s4  }
0xd: {  	[smem:$0x3FB2] =	sst s5  }
0xe: {  	[smem:$0x3FB3] =	sst s6  }
0xf: {  	[smem:$0x3FB4] =	sst s7  }
0x10: {  	[smem:$0x3FB5] =	sst s8  }
0x11: {  	[smem:$0x3FB6] =	sst s9;
	s0 =	simm.s32 @!p0 $0x0  }
0x12: {  	s1 =	sld [smem:$0x3F9C];
	s0 =	simm.s32 @p0 $0x1  }
0x13: {  	[smem:$0x3FB7] =	sst s0;
	s0 =	simm.s32 @!p1 $0x0  }
0x14: {  	s2 =	sld [smem:$0x3F9B];
	s0 =	simm.s32 @p1 $0x1  }
0x15: {  	[smem:$0x3FB8] =	sst s0;
	s0 =	simm.s32 @!p2 $0x0  }
0x16: {  	s3 =	sld [smem:$0x3FDB];
	s0 =	simm.s32 @p2 $0x1  }
0x17: {  	s4 =	simm.s32 $0x1BF5;
	[smem:$0x3FBA] =	sst s0  }
0x18: {  	s0 =	sld [smem:$0x3F9D];
	_ =	swait.ge [sflag:s4], $0x0  }
0x19: {  	s7 =	sld [smem:$0x3F9E]  }
0x1a: {  	s8 =	sadd.s32 $0xFFFFE003, lr  }
0x1b: {  	s9 =	sadd.s32 $0xFFFFFEF7, lr;
	s5 =	simm.s32 $0xFFFFFFFF;
	p2 =	slt.u32 s8, $0xFFFFF086  }
0x1c: {  	p1 =	slt.u32 s9, $0xF7A;
	s5 =	simm.s32 @!p2 $0x0  }
0x1d: {  	s5 =	simm.s32 @p1 $0x1;
	p0 =	seq.s32 s7, s2  }
0x1e: {  	s7 =	smul.u32 @!p0 $0xF7A, s2;
	p2 =	seq.s32 @!p0 s5, $0x0  }
0x1f: {  	s9 =	smul.u32 $0xF7A, s1;
	s8 =	simm.s32 @!p0 $0x1BF5;
	p2 =	por !p2, p0  }
0x20: {  	[sflag:s8] =	ssyncset.s32 @!p0 $0xFFFFF086;
	s6 =	sadd.s32 @!p0 s3, s7;
	s7 =	simm.s32 @!p0 $0x108  }
0x21: {  	s3 =	sadd.s32 s3, s9;
	s6 =	sadd.s32 @!p0 $0x88, s6;
	s7 =	simm.s32 @p2 $0x1082  }
0x22: {  	[simem:s7], [sflag:s8] =	dma.local @!p0 [hbm:s6], $0xF7A  }
0x23: {  	s9 =	sor.u32 $0xD0000000, s2;
	s6 =	simm.s32 $0x108;
	_ =	swait.ge @!p0 [sflag:s8], $0x0  }
0x24: {  	s3 =	sadd.s32 $0x88, s3;
	s6 =	simm.s32 @!p1 $0x1082;
	[sflag:s4] =	ssyncset.s32 $0xFFFFF086  }
0x25: {  	[simem:s6], [sflag:s4] =	dma.local [hbm:s3], $0xF7A  }
0x26: {  	[smem:$0x3F9E] =	sst s1;
	(tag) =	ssettag s2;
	_ =	strace s9  }
0x27: {  	s1 =	sld [smem:$0x3FAE]  }
0x28: {  	s2 =	sld [smem:$0x3FAF]  }
0x29: {  	s4 =	sld [smem:$0x3FB1]  }
0x2a: {  	p0 =	seq.s32 s5, $0x0;
	s5 =	sld [smem:$0x3FB2]  }
0x2b: {  	s6 =	sld [smem:$0x3FB3]  }
0x2c: {  	s7 =	sld [smem:$0x3FB4]  }
0x2d: {  	s3 =	simm.s32 $0x108;
	s8 =	sld [smem:$0x3FB5]  }
0x2e: {  	s3 =	simm.s32 @!p0 $0x1082;
	s9 =	sld [smem:$0x3FB6]  }
0x2f: {  	lr =	sadd.s32 s0, s3;
	s0 =	sld [smem:$0x3FAD]  }
0x30: {  	s3 =	sld [smem:$0x3FB0]  }
0x31: {  	[smem:$0x3FB9] =	sst s10  }
0x32: {  	s10 =	sld [smem:$0x3FB7];
	_ =	sdelay $0x3  }
0x33: {  	p0 =	seq.s32 s10, $0x1;
	s10 =	sld [smem:$0x3FB9];
	_ =	sdelay $0x3  }
0x34: {  	[smem:$0x3FB9] =	sst s10  }
0x35: {  	s10 =	sld [smem:$0x3FB8];
	_ =	sdelay $0x3  }
0x36: {  	p1 =	seq.s32 s10, $0x1;
	s10 =	sld [smem:$0x3FB9];
	_ =	sdelay $0x3  }
0x37: {  	[smem:$0x3FB9] =	sst s10  }
0x38: {  	s10 =	sld [smem:$0x3FBA]  }
0x39: {  	_ = 	snop;
	(pc) =	sbr.ind lr, $3  }
0x3a: {  	_ = 	snop  }
0x3b: {  	_ = 	snop  }
0x3c: {  	p2 =	seq.s32 s10, $0x1;
	s10 =	sld [smem:$0x3FB9]  }
0x3d: {  	_ =	shalt  }
0x3e: {  	_ =	shalt  }
0x3f: {  	_ =	shalt  }
0x40: {  	_ =	shalt  }
0x41: {  	_ =	shalt  }
0x42: {  	_ =	shalt  }
0x43: {  	_ =	shalt  }
0x44: {  	_ =	shalt  }
0x45: {  	_ =	shalt  }
0x46: {  	_ =	shalt  }
0x47: {  	_ =	shalt  }
0x48: {  	_ =	shalt  }
0x49: {  	_ =	shalt  }
0x4a: {  	_ =	shalt  }
0x4b: {  	_ =	shalt  }
0x4c: {  	_ =	shalt  }
0x4d: {  	_ =	shalt  }
0x4e: {  	_ =	shalt  }
0x4f: {  	_ =	shalt  }
0x50: {  	_ =	shalt  }
0x51: {  	_ =	shalt  }
0x52: {  	_ =	shalt  }
0x53: {  	_ =	shalt  }
0x54: {  	_ =	shalt  }
0x55: {  	_ =	shalt  }
0x56: {  	_ =	shalt  }
0x57: {  	_ =	shalt  }
0x58: {  	_ =	shalt  }
0x59: {  	_ =	shalt  }
0x5a: {  	_ =	shalt  }
0x5b: {  	_ =	shalt  }
0x5c: {  	_ =	shalt  }
0x5d: {  	_ =	shalt  }
0x5e: {  	_ =	shalt  }
0x5f: {  	_ =	shalt  }
0x60: {  	_ =	shalt  }
0x61: {  	_ =	shalt  }
0x62: {  	_ =	shalt  }
0x63: {  	_ =	shalt  }
0x64: {  	_ =	shalt  }
0x65: {  	_ =	shalt  }
0x66: {  	_ =	shalt  }
0x67: {  	_ =	shalt  }
0x68: {  	_ =	shalt  }
0x69: {  	_ =	shalt  }
0x6a: {  	_ =	shalt  }
0x6b: {  	_ =	shalt  }
0x6c: {  	_ =	shalt  }
0x6d: {  	_ =	shalt  }
0x6e: {  	_ =	shalt  }
0x6f: {  	_ =	shalt  }
0x70: {  	_ =	shalt  }
0x71: {  	_ =	shalt  }
0x72: {  	_ =	shalt  }
0x73: {  	_ =	shalt  }
0x74: {  	_ =	shalt  }
0x75: {  	_ =	shalt  }
0x76: {  	_ =	shalt  }
0x77: {  	_ =	shalt  }
0x78: {  	_ =	shalt  }
0x79: {  	_ =	shalt  }
0x7a: {  	_ =	shalt  }
0x7b: {  	_ =	shalt  }
0x7c: {  	_ =	shalt  }
0x7d: {  	_ =	shalt  }
0x7e: {  	_ =	shalt  }
0x7f: {  	_ =	shalt  }
0x80: {  	_ =	shalt  }
0x81: {  	_ =	shalt  }
0x82: {  	_ =	shalt  }
0x83: {  	_ =	shalt  }
0x84: {  	_ =	shalt  }
0x85: {  	_ =	shalt  }
0x86: {  	_ =	shalt  }
0x87: {  	_ =	shalt  }
.Lfunc_end0:
.L_simem_size_0:
called_computation_lowered:
.L_overlay_start_0:
0x88: {  	s2 =	sld [smem:$0x3FD9]  }
0x89: {  	s3 =	sld [smem:$0x3FFE];
	_ =	sdelay $0x1  }
0x8a: {  	s1 =	srdreg.scid  }
0x8b: {  	s0 =	sand.u32 $0x1, s1  }
0x8c: {  	s14 =	sshll.u32 s0, $0xA;
	s2 =	sadd.s32 s3, s2  }
0x8d: {  	s2 =	sadd.s32 s2, s14  }
0x8e: {  	[smem:$0x3FC5] =	sst s2  }
0x8f: {  	_ = 	snop  }
0x90: {  	s2 =	sld [smem:$0x3FD0];
	_ =	sdelay $0x2  }
0x91: {  	s15 =	simm.s32 $0xA;
	s4 =	simm.s32 $0x10  }
0x92: {  	[smem:s4], [sflag:s15] =	dma.local [hbm:s2], $0x1  }
0x93: {  	_ =	swait.eq [sflag:s15], $0x1  }
0x94: {  	[sflag:s15] =	ssyncset.done $0x0  }
0x95: {  	[sflag:s15] =	ssyncadd.s32 $0xFFFFFFFF  }
0x96: {  	s16 =	sld [smem:$0x10];
	(tm) =	ssettm $0x1  }
0x97: {  	s17 =	sld [smem:$0x3FFB];
	_ =	sdelay $0x3  }
0x98: {  	_ =	strace s17  }
0x99: {  	s3 =	sld [smem:$0x3FFC];
	_ =	sdelay $0x3  }
0x9a: {  	_ =	strace s3  }
0x9b: {  	s3 =	sld [smem:$0x3FFD];
	_ =	sdelay $0x3  }
0x9c: {  	_ =	strace s3  }
0x9d: {  	_ =	strace $0x8FFFFFFF  }
0x9e: {  	s18 =	sld [smem:$0x3FDB];
	_ =	sdelay $0x1  }
0x9f: {  	s19 =	simm.s32 $_scs_section_size  }
0xa0: {  	s5 =	simm.s32 $_size__tile_overlayer_lowered;
	s6 =	simm.s32 $_tile_overlayer_lowered  }
0xa1: {  	s22 =	simm.s32 $0x1BFF;
	s21 =	sshll.u32 s6, $0x1;
	s3 =	sadd.s32 s19, s18  }
0xa2: {  	s7 =	simm.s32 $0x0;
	s20 =	sshll.u32 s5, $0x1;
	s5 =	sadd.s32 s21, s3  }
0xa3: {  	[timem:s7], [sflag:s22] =	dma.local [hbm:s5], s20  }
0xa4: {  	_ =	swait.ge [sflag:s22], s20  }
0xa5: {  	s4 =	ssub.s32 $0x0, s20;
	[sflag:s22] =	ssyncset.done $0x0  }
0xa6: {  	[sflag:s22] =	ssyncadd.s32 s4;
	_ =	sdelay $0x1  }
0xa7: {  	s23 =	simm.s32 $0x1B8B  }
0xa8: {  	_ =	swait.ge [sflag:s23], $0x1  }
0xa9: {  	[sflag:s23] =	ssyncset.done $0x0  }
0xaa: {  	s25 =	simm.s32 $0x1B8E;
	s24 =	sld [smem:$0x3FFE];
	[sflag:s23] =	ssyncadd.s32 $0xFFFFFFFF  }
0xab: {  	s26 =	simm.s32 $execute0_lowered;
	[smem:$0x3FD2] =	sst s25  }
0xac: {  	s5 =	sshll.u32 s26, $0x1;
	_ =	strace $0x80000046;
	[dreg:$0x1] =	wrdreg $0xFFFFFFFF  }
0xad: {  	s28 =	simm.s32 $_size_execute0_lowered;
	s3 =	sadd.s32 s3, s5;
	[dreg:$0x0] =	wrdreg $0x0  }
0xae: {  	s5 =	sshll.u32 s28, $0x1;
	[dreg:$0x2] =	wrdreg s3  }
0xaf: {  	[dreg:$0x3] =	wrdreg s5  }
0xb0: {  	[dreg:$0x4] =	wrdreg $0xC0  }
0xb1: {  	_ =	task [dreg:s7], $0x5FFFF  }
0xb2: {  	[dreg:$0x1] =	wrdreg $0xFFFFFFFF  }
0xb3: {  	[dreg:$0x0] =	wrdreg $0x60  }
0xb4: {  	[dreg:$0x2] =	wrdreg s16  }
0xb5: {  	[dreg:$0x3] =	wrdreg s24  }
0xb6: {  	[dreg:$0x4] =	wrdreg $0x9  }
0xb7: {  	_ =	task.clear_ibuf [dreg:s7], $0x5FFFF;
	_ =	strace $0x90000046  }
0xb8: {  	s29 =	simm.s32 $0x9;
	_ =	strace $0x80000048  }
0xb9: {  	_ =	swait.ge [sflag:s29], $0x1  }
0xba: {  	[sflag:s29] =	ssyncadd.s32 $0xFFFFFFFF  }
0xbb: {  	_ =	strace $0x90000048  }
0xbc: {  	_ =	sfence  }
0xbd: {  	s30 =	sld [smem:$0x0];
	_ =	sdelay $0x2  }
0xbe: {  	s31 =	sshll.u32 s1, $0xD;
	s1 =	sshrl.u32 s1, $0x2  }
0xbf: {  	s3 =	sand.u32 $0x4000, s31;
	s1 =	sadd.s32 s1, s30  }
0xc0: {  	s0 =	sor.u32 s3, s0;
	s1 =	sshll.u32 s1, $0x11  }
0xc1: {  	s0 =	sor.u32 s1, s0  }
0xc2: {  	s0 =	sadd.s32 $0x8F2B, s0  }
0xc3: {  	[sflag:s0] =	ssyncadd.remote.s32 $0x1  }
0xc4: {  	_ =	sfence.sel $0xFFFF  }
0xc5: {  	[dreg:$0x0] =	wrdreg $0xFFFFFFFF;
	(pc) =	sbr.abs _section_cstart, $3  }
0xc6: {  	[dreg:$0x1] =	wrdreg $0xFFFFFFFF  }
0xc7: {  	_ =	task.clear_ibuf [dreg:s7], $0x2FFFF;
	_ =	strace $0x9FFFFFFF  }
0xc8: {  	(tm) =	ssettm $0x7FFFFFFF  }
0xc9: {  	_ =	shalt  }
tec
execute0_lowered:
.L_overlay_start_1:
0x0: {  	(tag) =	ssettag $0x1  }
0x1: {  	s1 =	srdreg.scid;
	s0 =	stileid.u32  }
0x2: {  	s3 =	rddreg [dreg:$0x0];
	s1 =	sand.u32 $0x1, s1;
	s2 =	sshll.u32 s0, $0x1  }
0x3: {  	s5 =	rddreg [dreg:$0x1];
	s4 =	sor.u32 s1, s2;
	s2 =	simm.s32 $0x0  }
0x4: {  	s25 =	simm.s32 $0x880;
	[smem:$0x7FF] =	sst s2  }
0x5: {  	s26 =	simm.s32 $0x1080;
	_ =	strace $0x80000047;
	[dreg:$0x5] =	wrdreg s25  }
0x6: {  	s0 =	simm.s32 $0x1880;
	[dreg:$0x6] =	wrdreg s26  }
0x7: {  	s7 =	simm.s32 $0x3080;
	[dreg:$0x7] =	wrdreg s0  }
0x8: {  	s8 =	simm.s32 $0x3880;
	[dreg:$0xa] =	wrdreg s7  }
0x9: {  	s9 =	simm.s32 $0x4080;
	[dreg:$0xb] =	wrdreg s8  }
0xa: {  	s10 =	simm.s32 $0x4880;
	[dreg:$0xc] =	wrdreg s9  }
0xb: {  	s11 =	simm.s32 $0x5080;
	[dreg:$0xd] =	wrdreg s10  }
0xc: {  	s12 =	simm.s32 $0x5880;
	[dreg:$0xe] =	wrdreg s11  }
0xd: {  	s13 =	simm.s32 $0x6080;
	[dreg:$0xf] =	wrdreg s12  }
0xe: {  	s14 =	simm.s32 $0x6880;
	s15 =	simm.s32 $0x7080;
	[dreg:$0x10] =	wrdreg s13  }
0xf: {  	s16 =	simm.s32 $0x7880;
	s17 =	simm.s32 $0x8080;
	[dreg:$0x11] =	wrdreg s14  }
0x10: {  	s18 =	simm.s32 $0x8880;
	s19 =	simm.s32 $0x9080;
	[dreg:$0x12] =	wrdreg s15  }
0x11: {  	s21 =	simm.s32 $0x9880;
	s22 =	simm.s32 $0xA080;
	[dreg:$0x13] =	wrdreg s16  }
0x12: {  	s23 =	simm.s32 $0xA880;
	s24 =	simm.s32 $0xB880;
	[dreg:$0x14] =	wrdreg s17  }
0x13: {  	s28 =	simm.s32 $0x16080;
	s29 =	simm.s32 $0x16880;
	[dreg:$0x15] =	wrdreg s18  }
0x14: {  	s30 =	simm.s32 $0x17080;
	s31 =	simm.s32 $0x17880;
	[dreg:$0x16] =	wrdreg s19  }
0x15: {  	s1 =	ssub.s32 $0x2, s1;
	s6 =	sshll.u32 s4, $0x4;
	[dreg:$0x17] =	wrdreg s21  }
0x16: {  	s4 =	smul.u32 $0x3000, s4;
	s20 =	sshrl.u32 s1, $0x1;
	[dreg:$0x18] =	wrdreg s22  }
0x17: {  	s6 =	sadd.s32 s6, s5;
	s1 =	ssub.s32 s1, s20;
	[dreg:$0x19] =	wrdreg s23  }
0x18: {  	s7 =	simm.s32 $0xB080;
	[dreg:$0x1b] =	wrdreg s24;
	s25 =	simm.s32 $0xC080  }
0x19: {  	s8 =	simm.s32 $0x80;
	s26 =	simm.s32 $0xC880;
	s10 =	simm.s32 $0xD880  }
0x1a: {  	s11 =	simm.s32 $0xE080;
	s12 =	simm.s32 $0xE880;
	s13 =	simm.s32 $0xF080  }
0x1b: {  	s14 =	simm.s32 $0xF880;
	s15 =	simm.s32 $0x10080;
	s16 =	simm.s32 $0x10880  }
0x1c: {  	s17 =	simm.s32 $0x11080;
	s18 =	simm.s32 $0x11880;
	s19 =	simm.s32 $0x12080  }
0x1d: {  	s20 =	simm.s32 $0x12880;
	s21 =	simm.s32 $0x13080;
	[dreg:$0x1a] =	wrdreg s7  }
0x1e: {  	s22 =	simm.s32 $0x13880;
	s23 =	simm.s32 $0x14080;
	[dreg:$0x1c] =	wrdreg s25  }
0x1f: {  	s24 =	simm.s32 $0x14880;
	s6 =	sadd.s32 $0x1000, s6;
	[dreg:$0x1d] =	wrdreg s26  }
0x20: {  	s3 =	sadd.s32 s3, s4;
	s4 =	simm.s32 $0x2080;
	[dreg:$0x3] =	wrdreg s6  }
0x21: {  	s7 =	simm.s32 $0x2;
	s25 =	simm.s32 $0x15080;
	[dreg:$0x4] =	wrdreg s3  }
0x22: {  	v2 =	vlaneseq.u32;
	s26 =	simm.s32 $0x15880;
	[dreg:$0x8] =	wrdreg s4;
	s6 =	simm.s32 $0x2880  }
0x23: {  	vm0 =	vmmov $0xffff;
	v1 =	vshrl.u32 v2, $0x3;
	s3 =	sadd.s32 $0x1200, s5;
	s4 =	sadd.s32 $0x1300, s5;
	s5 =	sadd.s32 $0x1400, s5  }
0x24: {  	v0 =	vand.u32 $0x7, v2;
	v2 =	vor.u32 $0x8, v2;
	v1 =	vmul.u32 $0x8, v1;
	[dreg:$0x9] =	wrdreg s6;
	s6 =	smax.u32 s1, $0x1;
	s1 =	simm.s32 $0x1  }
.LBB2_1:
0x25: {  	s0 =	rddreg [dreg:$0x3]  }
0x26: {  	[tilespmem:s2], [sflag:$0x2] =	stream.linear.gather [hbm4b:s0+s2], $0x80, $0x38;
	[tilespmem:$0x18080] =	vst v63  }
0x27: {  	_ =	swait.ge [sflag:s7], $0x80  }
0x28: {  	[sflag:s7] =	ssyncset.done $0x0  }
0x29: {  	s9 =	rddreg [dreg:$0x4];
	[sflag:s7] =	ssyncadd.s32 $0xFFFFFF80  }
0x2a: {  	[tilespmem:s8], [sflag:$0x2] =	stream.linear.gather [hbm4b:s9+s2], $0x18000, $0x38;
	[tilespmem:$0x18080] =	vst v63  }
0x2b: {  	_ =	swait.ge [sflag:s7], $0x18000  }
0x2c: {  	[sflag:s7] =	ssyncset.done $0x0  }
0x2d: {  	[sflag:s7] =	ssyncadd.s32 $0xFFFE8000  }
0x2e: {  	v3 =	vld [tilespmem:$0x0];
	_ =	sdelay $0x4  }
0x2f: {  	v4 =	vshrl.u32 v3, $0x3  }
0x30: {  	v4 =	vmul.u32 $0x30, v4  }
0x31: {  	v3 =	vand.u32 $0x7, v3  }
0x32: {  	v3 =	vor.u32 v3, v4  }
0x33: {  	v4 =	vperm.xlane v3, v0;
	_ =	sdelay $0x1  }
0x34: {  	v4 =	vadd.s32 v1, v4;
	_ =	sdelay $0x3  }
0x35: {  	v3 =	vperm.xlane v3, v2  }
0x36: {  	[hbm4b:s3+s2] =	stream.indirect_vreg.scatter [tilespmem:s8], [sflag:$0x1], $0x80, v4, vm0, $0xb8;
	[tilespmem:$0x18080] =	vst v63  }
0x37: {  	s0 =	rddreg [dreg:$0x5];
	v3 =	vadd.s32 v1, v3  }
0x38: {  	[hbm4b:s4+s2] =	stream.indirect_vreg.scatter [tilespmem:s0], [sflag:$0x1], $0x80, v4, vm0, $0xb8;
	[tilespmem:$0x18080] =	vst v63  }
0x39: {  	s9 =	rddreg [dreg:$0x6]  }
0x3a: {  	[hbm4b:s5+s2] =	stream.indirect_vreg.scatter [tilespmem:s9], [sflag:$0x1], $0x80, v4, vm0, $0xb8;
	[tilespmem:$0x18080] =	vst v63  }
0x3b: {  	s0 =	rddreg [dreg:$0x7]  }
0x3c: {  	[hbm4b:s3+s2] =	stream.indirect_vreg.scatter [tilespmem:s0], [sflag:$0x1], $0x80, v3, vm0, $0xb8;
	[tilespmem:$0x18080] =	vst v63  }
0x3d: {  	s9 =	rddreg [dreg:$0x8]  }
0x3e: {  	[hbm4b:s4+s2] =	stream.indirect_vreg.scatter [tilespmem:s9], [sflag:$0x1], $0x80, v3, vm0, $0xb8;
	[tilespmem:$0x18080] =	vst v63  }
0x3f: {  	s0 =	rddreg [dreg:$0x9]  }
0x40: {  	[hbm4b:s5+s2] =	stream.indirect_vreg.scatter [tilespmem:s0], [sflag:$0x1], $0x80, v3, vm0, $0xb8;
	[tilespmem:$0x18080] =	vst v63  }
0x41: {  	v3 =	vld [tilespmem:$0x10];
	_ =	sdelay $0x4  }
0x42: {  	v57 =	vshrl.u32 v3, $0x3  }
0x43: {  	v4 =	vmul.u32 $0x30, v57  }
0x44: {  	v3 =	vand.u32 $0x7, v3  }
0x45: {  	v3 =	vor.u32 v3, v4  }
0x46: {  	v4 =	vperm.xlane v3, v0;
	_ =	sdelay $0x1  }
0x47: {  	v4 =	vadd.s32 v1, v4;
	_ =	sdelay $0x3  }
0x48: {  	s0 =	rddreg [dreg:$0xa];
	v3 =	vperm.xlane v3, v2  }
0x49: {  	[hbm4b:s3+s2] =	stream.indirect_vreg.scatter [tilespmem:s0], [sflag:$0x1], $0x80, v4, vm0, $0xb8;
	[tilespmem:$0x18080] =	vst v63  }
0x4a: {  	s9 =	rddreg [dreg:$0xb];
	v3 =	vadd.s32 v1, v3  }
0x4b: {  	[hbm4b:s4+s2] =	stream.indirect_vreg.scatter [tilespmem:s9], [sflag:$0x1], $0x80, v4, vm0, $0xb8;
	[tilespmem:$0x18080] =	vst v63  }
0x4c: {  	s0 =	rddreg [dreg:$0xc]  }
0x4d: {  	[hbm4b:s5+s2] =	stream.indirect_vreg.scatter [tilespmem:s0], [sflag:$0x1], $0x80, v4, vm0, $0xb8;
	[tilespmem:$0x18080] =	vst v63  }
0x4e: {  	s9 =	rddreg [dreg:$0xd]  }
0x4f: {  	[hbm4b:s3+s2] =	stream.indirect_vreg.scatter [tilespmem:s9], [sflag:$0x1], $0x80, v3, vm0, $0xb8;
	[tilespmem:$0x18080] =	vst v63  }
0x50: {  	s0 =	rddreg [dreg:$0xe]  }
0x51: {  	[hbm4b:s4+s2] =	stream.indirect_vreg.scatter [tilespmem:s0], [sflag:$0x1], $0x80, v3, vm0, $0xb8;
	[tilespmem:$0x18080] =	vst v63  }
0x52: {  	s9 =	rddreg [dreg:$0xf]  }
0x53: {  	[hbm4b:s5+s2] =	stream.indirect_vreg.scatter [tilespmem:s9], [sflag:$0x1], $0x80, v3, vm0, $0xb8;
	[tilespmem:$0x18080] =	vst v63  }
0x54: {  	v3 =	vld [tilespmem:$0x20];
	_ =	sdelay $0x4  }
0x55: {  	v58 =	vshrl.u32 v3, $0x3  }
0x56: {  	v4 =	vmul.u32 $0x30, v58  }
0x57: {  	v3 =	vand.u32 $0x7, v3  }
0x58: {  	v3 =	vor.u32 v3, v4  }
0x59: {  	v4 =	vperm.xlane v3, v0;
	_ =	sdelay $0x1  }
0x5a: {  	v4 =	vadd.s32 v1, v4;
	_ =	sdelay $0x3  }
0x5b: {  	s0 =	rddreg [dreg:$0x10];
	v3 =	vperm.xlane v3, v2  }
0x5c: {  	[hbm4b:s3+s2] =	stream.indirect_vreg.scatter [tilespmem:s0], [sflag:$0x1], $0x80, v4, vm0, $0xb8;
	[tilespmem:$0x18080] =	vst v63  }
0x5d: {  	s9 =	rddreg [dreg:$0x11];
	v3 =	vadd.s32 v1, v3  }
0x5e: {  	[hbm4b:s4+s2] =	stream.indirect_vreg.scatter [tilespmem:s9], [sflag:$0x1], $0x80, v4, vm0, $0xb8;
	[tilespmem:$0x18080] =	vst v63  }
0x5f: {  	s0 =	rddreg [dreg:$0x12]  }
0x60: {  	[hbm4b:s5+s2] =	stream.indirect_vreg.scatter [tilespmem:s0], [sflag:$0x1], $0x80, v4, vm0, $0xb8;
	[tilespmem:$0x18080] =	vst v63  }
0x61: {  	s9 =	rddreg [dreg:$0x13]  }
0x62: {  	[hbm4b:s3+s2] =	stream.indirect_vreg.scatter [tilespmem:s9], [sflag:$0x1], $0x80, v3, vm0, $0xb8;
	[tilespmem:$0x18080] =	vst v63  }
0x63: {  	s0 =	rddreg [dreg:$0x14]  }
0x64: {  	[hbm4b:s4+s2] =	stream.indirect_vreg.scatter [tilespmem:s0], [sflag:$0x1], $0x80, v3, vm0, $0xb8;
	[tilespmem:$0x18080] =	vst v63  }
0x65: {  	s9 =	rddreg [dreg:$0x15]  }
0x66: {  	[hbm4b:s5+s2] =	stream.indirect_vreg.scatter [tilespmem:s9], [sflag:$0x1], $0x80, v3, vm0, $0xb8;
	[tilespmem:$0x18080] =	vst v63  }
0x67: {  	v3 =	vld [tilespmem:$0x30];
	_ =	sdelay $0x4  }
0x68: {  	v59 =	vshrl.u32 v3, $0x3  }
0x69: {  	v4 =	vmul.u32 $0x30, v59  }
0x6a: {  	v3 =	vand.u32 $0x7, v3  }
0x6b: {  	v3 =	vor.u32 v3, v4  }
0x6c: {  	v4 =	vperm.xlane v3, v0;
	_ =	sdelay $0x1  }
0x6d: {  	v4 =	vadd.s32 v1, v4;
	_ =	sdelay $0x3  }
0x6e: {  	s0 =	rddreg [dreg:$0x16];
	v3 =	vperm.xlane v3, v2  }
0x6f: {  	[hbm4b:s3+s2] =	stream.indirect_vreg.scatter [tilespmem:s0], [sflag:$0x1], $0x80, v4, vm0, $0xb8;
	[tilespmem:$0x18080] =	vst v63  }
0x70: {  	s9 =	rddreg [dreg:$0x17];
	v3 =	vadd.s32 v1, v3  }
0x71: {  	[hbm4b:s4+s2] =	stream.indirect_vreg.scatter [tilespmem:s9], [sflag:$0x1], $0x80, v4, vm0, $0xb8;
	[tilespmem:$0x18080] =	vst v63  }
0x72: {  	s0 =	rddreg [dreg:$0x18]  }
0x73: {  	[hbm4b:s5+s2] =	stream.indirect_vreg.scatter [tilespmem:s0], [sflag:$0x1], $0x80, v4, vm0, $0xb8;
	[tilespmem:$0x18080] =	vst v63  }
0x74: {  	s9 =	rddreg [dreg:$0x19]  }
0x75: {  	[hbm4b:s3+s2] =	stream.indirect_vreg.scatter [tilespmem:s9], [sflag:$0x1], $0x80, v3, vm0, $0xb8;
	[tilespmem:$0x18080] =	vst v63  }
0x76: {  	s0 =	rddreg [dreg:$0x1a]  }
0x77: {  	[hbm4b:s4+s2] =	stream.indirect_vreg.scatter [tilespmem:s0], [sflag:$0x1], $0x80, v3, vm0, $0xb8;
	[tilespmem:$0x18080] =	vst v63  }
0x78: {  	s9 =	rddreg [dreg:$0x1b]  }
0x79: {  	[hbm4b:s5+s2] =	stream.indirect_vreg.scatter [tilespmem:s9], [sflag:$0x1], $0x80, v3, vm0, $0xb8;
	[tilespmem:$0x18080] =	vst v63  }
0x7a: {  	v3 =	vld [tilespmem:$0x40];
	_ =	sdelay $0x4  }
0x7b: {  	v60 =	vshrl.u32 v3, $0x3  }
0x7c: {  	v4 =	vmul.u32 $0x30, v60  }
0x7d: {  	v3 =	vand.u32 $0x7, v3  }
0x7e: {  	v3 =	vor.u32 v3, v4  }
0x7f: {  	v4 =	vperm.xlane v3, v0;
	_ =	sdelay $0x1  }
0x80: {  	v4 =	vadd.s32 v1, v4;
	_ =	sdelay $0x3  }
0x81: {  	s0 =	rddreg [dreg:$0x1c];
	v3 =	vperm.xlane v3, v2  }
0x82: {  	[hbm4b:s3+s2] =	stream.indirect_vreg.scatter [tilespmem:s0], [sflag:$0x1], $0x80, v4, vm0, $0xb8;
	[tilespmem:$0x18080] =	vst v63  }
0x83: {  	s9 =	rddreg [dreg:$0x1d];
	v3 =	vadd.s32 v1, v3  }
0x84: {  	[hbm4b:s4+s2] =	stream.indirect_vreg.scatter [tilespmem:s9], [sflag:$0x1], $0x80, v4, vm0, $0xb8;
	[tilespmem:$0x18080] =	vst v63  }
0x85: {  	s9 =	simm.s32 $0xD080  }
0x86: {  	[hbm4b:s5+s2] =	stream.indirect_vreg.scatter [tilespmem:s9], [sflag:$0x1], $0x80, v4, vm0, $0xb8;
	[tilespmem:$0x18080] =	vst v63  }
0x87: {  	_ = 	snop  }
0x88: {  	[hbm4b:s3+s2] =	stream.indirect_vreg.scatter [tilespmem:s10], [sflag:$0x1], $0x80, v3, vm0, $0xb8;
	[tilespmem:$0x18080] =	vst v63  }
0x89: {  	_ = 	snop  }
0x8a: {  	[hbm4b:s4+s2] =	stream.indirect_vreg.scatter [tilespmem:s11], [sflag:$0x1], $0x80, v3, vm0, $0xb8;
	[tilespmem:$0x18080] =	vst v63  }
0x8b: {  	_ = 	snop  }
0x8c: {  	[hbm4b:s5+s2] =	stream.indirect_vreg.scatter [tilespmem:s12], [sflag:$0x1], $0x80, v3, vm0, $0xb8;
	[tilespmem:$0x18080] =	vst v63  }
0x8d: {  	v3 =	vld [tilespmem:$0x50];
	_ =	sdelay $0x4  }
0x8e: {  	v61 =	vshrl.u32 v3, $0x3  }
0x8f: {  	v4 =	vmul.u32 $0x30, v61  }
0x90: {  	v3 =	vand.u32 $0x7, v3  }
0x91: {  	v3 =	vor.u32 v3, v4  }
0x92: {  	v4 =	vperm.xlane v3, v0;
	_ =	sdelay $0x1  }
0x93: {  	v4 =	vadd.s32 v1, v4;
	_ =	sdelay $0x3  }
0x94: {  	v3 =	vperm.xlane v3, v2  }
0x95: {  	[hbm4b:s3+s2] =	stream.indirect_vreg.scatter [tilespmem:s13], [sflag:$0x1], $0x80, v4, vm0, $0xb8;
	[tilespmem:$0x18080] =	vst v63  }
0x96: {  	v3 =	vadd.s32 v1, v3  }
0x97: {  	[hbm4b:s4+s2] =	stream.indirect_vreg.scatter [tilespmem:s14], [sflag:$0x1], $0x80, v4, vm0, $0xb8;
	[tilespmem:$0x18080] =	vst v63  }
0x98: {  	_ = 	snop  }
0x99: {  	[hbm4b:s5+s2] =	stream.indirect_vreg.scatter [tilespmem:s15], [sflag:$0x1], $0x80, v4, vm0, $0xb8;
	[tilespmem:$0x18080] =	vst v63  }
0x9a: {  	_ = 	snop  }
0x9b: {  	[hbm4b:s3+s2] =	stream.indirect_vreg.scatter [tilespmem:s16], [sflag:$0x1], $0x80, v3, vm0, $0xb8;
	[tilespmem:$0x18080] =	vst v63  }
0x9c: {  	_ = 	snop  }
0x9d: {  	[hbm4b:s4+s2] =	stream.indirect_vreg.scatter [tilespmem:s17], [sflag:$0x1], $0x80, v3, vm0, $0xb8;
	[tilespmem:$0x18080] =	vst v63  }
0x9e: {  	_ = 	snop  }
0x9f: {  	[hbm4b:s5+s2] =	stream.indirect_vreg.scatter [tilespmem:s18], [sflag:$0x1], $0x80, v3, vm0, $0xb8;
	[tilespmem:$0x18080] =	vst v63  }
0xa0: {  	v3 =	vld [tilespmem:$0x60];
	_ =	sdelay $0x4  }
0xa1: {  	v62 =	vshrl.u32 v3, $0x3  }
0xa2: {  	v4 =	vmul.u32 $0x30, v62  }
0xa3: {  	v3 =	vand.u32 $0x7, v3  }
0xa4: {  	v3 =	vor.u32 v3, v4  }
0xa5: {  	v4 =	vperm.xlane v3, v0;
	_ =	sdelay $0x1  }
0xa6: {  	v4 =	vadd.s32 v1, v4;
	_ =	sdelay $0x3  }
0xa7: {  	v3 =	vperm.xlane v3, v2  }
0xa8: {  	[hbm4b:s3+s2] =	stream.indirect_vreg.scatter [tilespmem:s19], [sflag:$0x1], $0x80, v4, vm0, $0xb8;
	[tilespmem:$0x18080] =	vst v63  }
0xa9: {  	v3 =	vadd.s32 v1, v3  }
0xaa: {  	[hbm4b:s4+s2] =	stream.indirect_vreg.scatter [tilespmem:s20], [sflag:$0x1], $0x80, v4, vm0, $0xb8;
	[tilespmem:$0x18080] =	vst v63  }
0xab: {  	_ = 	snop  }
0xac: {  	[hbm4b:s5+s2] =	stream.indirect_vreg.scatter [tilespmem:s21], [sflag:$0x1], $0x80, v4, vm0, $0xb8;
	[tilespmem:$0x18080] =	vst v63  }
0xad: {  	_ = 	snop  }
0xae: {  	[hbm4b:s3+s2] =	stream.indirect_vreg.scatter [tilespmem:s22], [sflag:$0x1], $0x80, v3, vm0, $0xb8;
	[tilespmem:$0x18080] =	vst v63  }
0xaf: {  	_ = 	snop  }
0xb0: {  	[hbm4b:s4+s2] =	stream.indirect_vreg.scatter [tilespmem:s23], [sflag:$0x1], $0x80, v3, vm0, $0xb8;
	[tilespmem:$0x18080] =	vst v63  }
0xb1: {  	_ = 	snop  }
0xb2: {  	[hbm4b:s5+s2] =	stream.indirect_vreg.scatter [tilespmem:s24], [sflag:$0x1], $0x80, v3, vm0, $0xb8;
	[tilespmem:$0x18080] =	vst v63  }
0xb3: {  	v3 =	vld [tilespmem:$0x70];
	_ =	sdelay $0x4  }
0xb4: {  	v63 =	vshrl.u32 v3, $0x3  }
0xb5: {  	v4 =	vmul.u32 $0x30, v63  }
0xb6: {  	v3 =	vand.u32 $0x7, v3  }
0xb7: {  	v3 =	vor.u32 v3, v4  }
0xb8: {  	v4 =	vperm.xlane v3, v0;
	_ =	sdelay $0x1  }
0xb9: {  	v4 =	vadd.s32 v1, v4;
	_ =	sdelay $0x3  }
0xba: {  	v3 =	vperm.xlane v3, v2  }
0xbb: {  	[hbm4b:s3+s2] =	stream.indirect_vreg.scatter [tilespmem:s25], [sflag:$0x1], $0x80, v4, vm0, $0xb8;
	[tilespmem:$0x18080] =	vst v63  }
0xbc: {  	v3 =	vadd.s32 v1, v3  }
0xbd: {  	[hbm4b:s4+s2] =	stream.indirect_vreg.scatter [tilespmem:s26], [sflag:$0x1], $0x80, v4, vm0, $0xb8;
	[tilespmem:$0x18080] =	vst v63  }
0xbe: {  	_ = 	snop  }
0xbf: {  	[hbm4b:s5+s2] =	stream.indirect_vreg.scatter [tilespmem:s28], [sflag:$0x1], $0x80, v4, vm0, $0xb8;
	[tilespmem:$0x18080] =	vst v63  }
0xc0: {  	_ = 	snop  }
0xc1: {  	[hbm4b:s3+s2] =	stream.indirect_vreg.scatter [tilespmem:s29], [sflag:$0x1], $0x80, v3, vm0, $0xb8;
	[tilespmem:$0x18080] =	vst v63  }
0xc2: {  	p0 =	sne.s32 s6, $0x1  }
0xc3: {  	[hbm4b:s4+s2] =	stream.indirect_vreg.scatter [tilespmem:s30], [sflag:$0x1], $0x80, v3, vm0, $0xb8;
	[tilespmem:$0x18080] =	vst v63  }
.Ltmp0:
0xc4: {  	_ = 	snop;
	(pc) =	sbr.rel @p0 .LBB2_1-.Ltmp0, $4  }
0xc5: {  	[hbm4b:s5+s2] =	stream.indirect_vreg.scatter [tilespmem:s31], [sflag:$0x1], $0x80, v3, vm0, $0xb8;
	[tilespmem:$0x18080] =	vst v63  }
0xc6: {  	_ =	swait.ge [sflag:s1], $0x18000  }
0xc7: {  	[sflag:s1] =	ssyncset.done $0x0  }
0xc8: {  	s6 =	sadd.s32 $0xFFFFFFFF, s6;
	[sflag:s1] =	ssyncadd.s32 $0xFFFE8000  }
0xc9: {  	_ =	sfence.sel $0x180000  }
0xca: {  	[bflag:$0x0] =	sbarrier.arrive $0xFFFF  }
0xcb: {  	_ =	strace $0x90000047  }
0xcc: {  	s0 =	stileid.u32;
	[bflag:$0x2] =	sbarrier.arrive $0xFFFF  }
0xcd: {  	p0 =	sne.s32 s0, $0x0;
	s0 =	rddreg [dreg:$0x2]  }
0xce: {  	s0 =	sadd.s32 @!p0 $0x100000, s0  }
0xcf: {  	[sflag:s0] =	ssyncadd.tile.s32 @!p0 $0x1;
	_ =	shalt  }
.Lfunc_end2:
_tile_overlayer_lowered:
.L_overlay_start_2:
0xd0: {  	(tag) =	ssettag $0x2  }
0xd1: {  	s0 =	rddreg [dreg:$0x0];
	s2 =	stileid.u32  }
0xd2: {  	s1 =	rddreg [dreg:$0x1];
	p0 =	sne.s32 s2, $0x0  }
0xd3: {  	s3 =	rddreg [dreg:$0x2];
	[bflag:$0x3] =	sbarrier.arrive $0xFFFF;
	s2 =	simm.s32 @!p0 $0x1C02  }
0xd4: {  	[timem:s3], [sflag:s2] =	dma.local @!p0 [hbm:s0], s1  }
0xd5: {  	s0 =	simm.s32 @!p0 $0x2  }
0xd6: {  	_ =	swait.ge @!p0 [sflag:s0], s1  }
0xd7: {  	s1 =	ssub.s32 @!p0 $0x0, s1;
	[sflag:s0] =	ssyncset.done @!p0 $0x0  }
0xd8: {  	[sflag:s0] =	ssyncadd.s32 @!p0 s1  }
0xd9: {  	[bflag:$0x3] =	sbarrier.arrive $0xFFFF  }
0xda: {  	_ =	shalt  }

// kernel: kernel.8.cloned.1.call-start
scs
__scs_entry_jumppad:
0x0: {  	(pc) =	sbr.rel $0x88, $3  }
0x1: {  	(tag) =	ssettag $0x0;
	lr =	simm.s32 $0x1  }
0x2: {  	[smem:$0x3F9E] =	sst lr;
	_ =	strace $0xD0000000  }
0x3: {  	_ = 	snop  }
0x4: {  	_ = 	snop  }
0x5: {  	_ = 	snop  }
0x6: {  	_ = 	snop  }
0x7: {  	_ = 	snop  }
__scs_overlays_trampoline_lowered:
0x8: {  	[smem:$0x3FAD] =	sst s0  }
0x9: {  	[smem:$0x3FAE] =	sst s1  }
0xa: {  	[smem:$0x3FAF] =	sst s2  }
0xb: {  	[smem:$0x3FB0] =	sst s3  }
0xc: {  	[smem:$0x3FB1] =	sst s4  }
0xd: {  	[smem:$0x3FB2] =	sst s5  }
0xe: {  	[smem:$0x3FB3] =	sst s6  }
0xf: {  	[smem:$0x3FB4] =	sst s7  }
0x10: {  	[smem:$0x3FB5] =	sst s8  }
0x11: {  	[smem:$0x3FB6] =	sst s9;
	s0 =	simm.s32 @!p0 $0x0  }
0x12: {  	s1 =	sld [smem:$0x3F9C];
	s0 =	simm.s32 @p0 $0x1  }
0x13: {  	[smem:$0x3FB7] =	sst s0;
	s0 =	simm.s32 @!p1 $0x0  }
0x14: {  	s2 =	sld [smem:$0x3F9B];
	s0 =	simm.s32 @p1 $0x1  }
0x15: {  	[smem:$0x3FB8] =	sst s0;
	s0 =	simm.s32 @!p2 $0x0  }
0x16: {  	s3 =	sld [smem:$0x3FDB];
	s0 =	simm.s32 @p2 $0x1  }
0x17: {  	s4 =	simm.s32 $0x1BF5;
	[smem:$0x3FBA] =	sst s0  }
0x18: {  	s0 =	sld [smem:$0x3F9D];
	_ =	swait.ge [sflag:s4], $0x0  }
0x19: {  	s7 =	sld [smem:$0x3F9E]  }
0x1a: {  	s8 =	sadd.s32 $0xFFFFE003, lr  }
0x1b: {  	s9 =	sadd.s32 $0xFFFFFEF7, lr;
	s5 =	simm.s32 $0xFFFFFFFF;
	p2 =	slt.u32 s8, $0xFFFFF086  }
0x1c: {  	p1 =	slt.u32 s9, $0xF7A;
	s5 =	simm.s32 @!p2 $0x0  }
0x1d: {  	s5 =	simm.s32 @p1 $0x1;
	p0 =	seq.s32 s7, s2  }
0x1e: {  	s7 =	smul.u32 @!p0 $0xF7A, s2;
	p2 =	seq.s32 @!p0 s5, $0x0  }
0x1f: {  	s9 =	smul.u32 $0xF7A, s1;
	s8 =	simm.s32 @!p0 $0x1BF5;
	p2 =	por !p2, p0  }
0x20: {  	[sflag:s8] =	ssyncset.s32 @!p0 $0xFFFFF086;
	s6 =	sadd.s32 @!p0 s3, s7;
	s7 =	simm.s32 @!p0 $0x108  }
0x21: {  	s3 =	sadd.s32 s3, s9;
	s6 =	sadd.s32 @!p0 $0x88, s6;
	s7 =	simm.s32 @p2 $0x1082  }
0x22: {  	[simem:s7], [sflag:s8] =	dma.local @!p0 [hbm:s6], $0xF7A  }
0x23: {  	s9 =	sor.u32 $0xD0000000, s2;
	s6 =	simm.s32 $0x108;
	_ =	swait.ge @!p0 [sflag:s8], $0x0  }
0x24: {  	s3 =	sadd.s32 $0x88, s3;
	s6 =	simm.s32 @!p1 $0x1082;
	[sflag:s4] =	ssyncset.s32 $0xFFFFF086  }
0x25: {  	[simem:s6], [sflag:s4] =	dma.local [hbm:s3], $0xF7A  }
0x26: {  	[smem:$0x3F9E] =	sst s1;
	(tag) =	ssettag s2;
	_ =	strace s9  }
0x27: {  	s1 =	sld [smem:$0x3FAE]  }
0x28: {  	s2 =	sld [smem:$0x3FAF]  }
0x29: {  	s4 =	sld [smem:$0x3FB1]  }
0x2a: {  	p0 =	seq.s32 s5, $0x0;
	s5 =	sld [smem:$0x3FB2]  }
0x2b: {  	s6 =	sld [smem:$0x3FB3]  }
0x2c: {  	s7 =	sld [smem:$0x3FB4]  }
0x2d: {  	s3 =	simm.s32 $0x108;
	s8 =	sld [smem:$0x3FB5]  }
0x2e: {  	s3 =	simm.s32 @!p0 $0x1082;
	s9 =	sld [smem:$0x3FB6]  }
0x2f: {  	lr =	sadd.s32 s0, s3;
	s0 =	sld [smem:$0x3FAD]  }
0x30: {  	s3 =	sld [smem:$0x3FB0]  }
0x31: {  	[smem:$0x3FB9] =	sst s10  }
0x32: {  	s10 =	sld [smem:$0x3FB7];
	_ =	sdelay $0x3  }
0x33: {  	p0 =	seq.s32 s10, $0x1;
	s10 =	sld [smem:$0x3FB9];
	_ =	sdelay $0x3  }
0x34: {  	[smem:$0x3FB9] =	sst s10  }
0x35: {  	s10 =	sld [smem:$0x3FB8];
	_ =	sdelay $0x3  }
0x36: {  	p1 =	seq.s32 s10, $0x1;
	s10 =	sld [smem:$0x3FB9];
	_ =	sdelay $0x3  }
0x37: {  	[smem:$0x3FB9] =	sst s10  }
0x38: {  	s10 =	sld [smem:$0x3FBA]  }
0x39: {  	_ = 	snop;
	(pc) =	sbr.ind lr, $3  }
0x3a: {  	_ = 	snop  }
0x3b: {  	_ = 	snop  }
0x3c: {  	p2 =	seq.s32 s10, $0x1;
	s10 =	sld [smem:$0x3FB9]  }
0x3d: {  	_ =	shalt  }
0x3e: {  	_ =	shalt  }
0x3f: {  	_ =	shalt  }
0x40: {  	_ =	shalt  }
0x41: {  	_ =	shalt  }
0x42: {  	_ =	shalt  }
0x43: {  	_ =	shalt  }
0x44: {  	_ =	shalt  }
0x45: {  	_ =	shalt  }
0x46: {  	_ =	shalt  }
0x47: {  	_ =	shalt  }
0x48: {  	_ =	shalt  }
0x49: {  	_ =	shalt  }
0x4a: {  	_ =	shalt  }
0x4b: {  	_ =	shalt  }
0x4c: {  	_ =	shalt  }
0x4d: {  	_ =	shalt  }
0x4e: {  	_ =	shalt  }
0x4f: {  	_ =	shalt  }
0x50: {  	_ =	shalt  }
0x51: {  	_ =	shalt  }
0x52: {  	_ =	shalt  }
0x53: {  	_ =	shalt  }
0x54: {  	_ =	shalt  }
0x55: {  	_ =	shalt  }
0x56: {  	_ =	shalt  }
0x57: {  	_ =	shalt  }
0x58: {  	_ =	shalt  }
0x59: {  	_ =	shalt  }
0x5a: {  	_ =	shalt  }
0x5b: {  	_ =	shalt  }
0x5c: {  	_ =	shalt  }
0x5d: {  	_ =	shalt  }
0x5e: {  	_ =	shalt  }
0x5f: {  	_ =	shalt  }
0x60: {  	_ =	shalt  }
0x61: {  	_ =	shalt  }
0x62: {  	_ =	shalt  }
0x63: {  	_ =	shalt  }
0x64: {  	_ =	shalt  }
0x65: {  	_ =	shalt  }
0x66: {  	_ =	shalt  }
0x67: {  	_ =	shalt  }
0x68: {  	_ =	shalt  }
0x69: {  	_ =	shalt  }
0x6a: {  	_ =	shalt  }
0x6b: {  	_ =	shalt  }
0x6c: {  	_ =	shalt  }
0x6d: {  	_ =	shalt  }
0x6e: {  	_ =	shalt  }
0x6f: {  	_ =	shalt  }
0x70: {  	_ =	shalt  }
0x71: {  	_ =	shalt  }
0x72: {  	_ =	shalt  }
0x73: {  	_ =	shalt  }
0x74: {  	_ =	shalt  }
0x75: {  	_ =	shalt  }
0x76: {  	_ =	shalt  }
0x77: {  	_ =	shalt  }
0x78: {  	_ =	shalt  }
0x79: {  	_ =	shalt  }
0x7a: {  	_ =	shalt  }
0x7b: {  	_ =	shalt  }
0x7c: {  	_ =	shalt  }
0x7d: {  	_ =	shalt  }
0x7e: {  	_ =	shalt  }
0x7f: {  	_ =	shalt  }
0x80: {  	_ =	shalt  }
0x81: {  	_ =	shalt  }
0x82: {  	_ =	shalt  }
0x83: {  	_ =	shalt  }
0x84: {  	_ =	shalt  }
0x85: {  	_ =	shalt  }
0x86: {  	_ =	shalt  }
0x87: {  	_ =	shalt  }
.Lfunc_end0:
.L_simem_size_0:
called_computation.1_lowered:
.L_overlay_start_0:
0x88: {  	s2 =	sld [smem:$0x3FD9]  }
0x89: {  	s3 =	sld [smem:$0x3FFE];
	_ =	sdelay $0x1  }
0x8a: {  	s1 =	srdreg.scid  }
0x8b: {  	s0 =	sand.u32 $0x1, s1  }
0x8c: {  	s16 =	sshll.u32 s0, $0xA;
	s2 =	sadd.s32 s3, s2  }
0x8d: {  	s2 =	sadd.s32 s2, s16  }
0x8e: {  	[smem:$0x3FC5] =	sst s2  }
0x8f: {  	_ = 	snop  }
0x90: {  	(tm) =	ssettm $0x1  }
0x91: {  	s17 =	sld [smem:$0x3FFB];
	_ =	sdelay $0x3  }
0x92: {  	_ =	strace s17  }
0x93: {  	s2 =	sld [smem:$0x3FFC];
	_ =	sdelay $0x3  }
0x94: {  	_ =	strace s2  }
0x95: {  	s2 =	sld [smem:$0x3FFD];
	_ =	sdelay $0x3  }
0x96: {  	_ =	strace s2  }
0x97: {  	_ =	strace $0x8FFFFFFF  }
0x98: {  	s18 =	sld [smem:$0x3FDB];
	_ =	sdelay $0x1  }
0x99: {  	s19 =	simm.s32 $_scs_section_size  }
0x9a: {  	s4 =	simm.s32 $_size__tile_overlayer_lowered;
	s5 =	simm.s32 $_tile_overlayer_lowered  }
0x9b: {  	s22 =	simm.s32 $0x1BFF;
	s21 =	sshll.u32 s5, $0x1;
	s2 =	sadd.s32 s19, s18  }
0x9c: {  	s6 =	simm.s32 $0x0;
	s20 =	sshll.u32 s4, $0x1;
	s4 =	sadd.s32 s21, s2  }
0x9d: {  	[timem:s6], [sflag:s22] =	dma.local [hbm:s4], s20  }
0x9e: {  	_ =	swait.ge [sflag:s22], s20  }
0x9f: {  	s3 =	ssub.s32 $0x0, s20;
	[sflag:s22] =	ssyncset.done $0x0  }
0xa0: {  	[sflag:s22] =	ssyncadd.s32 s3;
	_ =	sdelay $0x1  }
0xa1: {  	s23 =	simm.s32 $0x1B8B  }
0xa2: {  	_ =	swait.ge [sflag:s23], $0x1  }
0xa3: {  	[sflag:s23] =	ssyncset.done $0x0  }
0xa4: {  	s25 =	simm.s32 $0x1B8E;
	s24 =	sld [smem:$0x3FFE];
	[sflag:s23] =	ssyncadd.s32 $0xFFFFFFFF  }
0xa5: {  	s26 =	simm.s32 $execute0_lowered;
	[smem:$0x3FD2] =	sst s25  }
0xa6: {  	s4 =	sshll.u32 s26, $0x1;
	_ =	strace $0x80000049;
	[dreg:$0x1] =	wrdreg $0xFFFFFFFF  }
0xa7: {  	s28 =	simm.s32 $_size_execute0_lowered;
	s2 =	sadd.s32 s2, s4;
	[dreg:$0x0] =	wrdreg $0x0  }
0xa8: {  	s4 =	sshll.u32 s28, $0x1;
	[dreg:$0x2] =	wrdreg s2  }
0xa9: {  	[dreg:$0x3] =	wrdreg s4  }
0xaa: {  	[dreg:$0x4] =	wrdreg $0xC0  }
0xab: {  	_ =	task [dreg:s6], $0x5FFFF  }
0xac: {  	[dreg:$0x1] =	wrdreg $0xFFFFFFFF  }
0xad: {  	[dreg:$0x0] =	wrdreg $0x60  }
0xae: {  	[dreg:$0x2] =	wrdreg s24  }
0xaf: {  	[dreg:$0x3] =	wrdreg $0x9  }
0xb0: {  	_ =	task.clear_ibuf [dreg:s6], $0x4FFFF;
	_ =	strace $0x90000049  }
0xb1: {  	s29 =	simm.s32 $0x9;
	_ =	strace $0x8000004B  }
0xb2: {  	_ =	swait.ge [sflag:s29], $0x1  }
0xb3: {  	[sflag:s29] =	ssyncadd.s32 $0xFFFFFFFF  }
0xb4: {  	_ =	strace $0x9000004B  }
0xb5: {  	_ =	sfence  }
0xb6: {  	s30 =	sld [smem:$0x0];
	_ =	sdelay $0x2  }
0xb7: {  	s31 =	sshll.u32 s1, $0xD;
	s1 =	sshrl.u32 s1, $0x2  }
0xb8: {  	s3 =	sand.u32 $0x4000, s31;
	s1 =	sadd.s32 s1, s30  }
0xb9: {  	s0 =	sor.u32 s3, s0;
	s1 =	sshll.u32 s1, $0x11  }
0xba: {  	s0 =	sor.u32 s1, s0  }
0xbb: {  	s0 =	sadd.s32 $0x8F2B, s0  }
0xbc: {  	[sflag:s0] =	ssyncadd.remote.s32 $0x1  }
0xbd: {  	_ =	sfence.sel $0xFFFF  }
0xbe: {  	[dreg:$0x0] =	wrdreg $0xFFFFFFFF;
	(pc) =	sbr.abs _section_cstart, $3  }
0xbf: {  	[dreg:$0x1] =	wrdreg $0xFFFFFFFF  }
0xc0: {  	_ =	task.clear_ibuf [dreg:s6], $0x2FFFF;
	_ =	strace $0x9FFFFFFF  }
0xc1: {  	(tm) =	ssettm $0x7FFFFFFF  }
tec
execute0_lowered:
.L_overlay_start_1:
0x0: {  	(tag) =	ssettag $0x1  }
0x1: {  	s1 =	srdreg.scid;
	s0 =	stileid.u32  }
0x2: {  	s1 =	sand.u32 $0x1, s1;
	s2 =	sshll.u32 s0, $0x1  }
0x3: {  	s5 =	rddreg [dreg:$0x0];
	s3 =	sor.u32 s1, s2;
	s2 =	simm.s32 $0x0  }
0x4: {  	s26 =	simm.s32 $0x880;
	[smem:$0x7FF] =	sst s2  }
0x5: {  	s0 =	simm.s32 $0x1080;
	_ =	strace $0x8000004A;
	[dreg:$0x4] =	wrdreg s26  }
0x6: {  	s6 =	simm.s32 $0x2080;
	[dreg:$0x5] =	wrdreg s0  }
0x7: {  	s7 =	simm.s32 $0x2880;
	[dreg:$0x7] =	wrdreg s6  }
0x8: {  	s8 =	simm.s32 $0x3080;
	[dreg:$0x8] =	wrdreg s7  }
0x9: {  	s9 =	simm.s32 $0x3880;
	[dreg:$0x9] =	wrdreg s8  }
0xa: {  	s10 =	simm.s32 $0x4080;
	[dreg:$0xa] =	wrdreg s9  }
0xb: {  	s11 =	simm.s32 $0x4880;
	[dreg:$0xb] =	wrdreg s10  }
0xc: {  	s12 =	simm.s32 $0x5080;
	[dreg:$0xc] =	wrdreg s11  }
0xd: {  	s13 =	simm.s32 $0x5880;
	[dreg:$0xd] =	wrdreg s12  }
0xe: {  	s14 =	simm.s32 $0x6080;
	[dreg:$0xe] =	wrdreg s13  }
0xf: {  	s15 =	simm.s32 $0x6880;
	[dreg:$0xf] =	wrdreg s14  }
0x10: {  	s16 =	simm.s32 $0x7080;
	s17 =	simm.s32 $0x7880;
	[dreg:$0x10] =	wrdreg s15  }
0x11: {  	s18 =	simm.s32 $0x8080;
	s19 =	simm.s32 $0x8880;
	[dreg:$0x11] =	wrdreg s16  }
0x12: {  	s20 =	simm.s32 $0x9080;
	s21 =	simm.s32 $0x9880;
	[dreg:$0x12] =	wrdreg s17  }
0x13: {  	s22 =	simm.s32 $0xA080;
	s23 =	simm.s32 $0xA880;
	[dreg:$0x13] =	wrdreg s18  }
0x14: {  	s24 =	simm.s32 $0xB880;
	s25 =	simm.s32 $0xC080;
	[dreg:$0x14] =	wrdreg s19  }
0x15: {  	s28 =	simm.s32 $0x16080;
	s29 =	simm.s32 $0x16880;
	[dreg:$0x15] =	wrdreg s20  }
0x16: {  	s30 =	simm.s32 $0x17080;
	s31 =	simm.s32 $0x17880;
	[dreg:$0x16] =	wrdreg s21  }
0x17: {  	s1 =	ssub.s32 $0x2, s1;
	s4 =	sshll.u32 s3, $0x4;
	[dreg:$0x17] =	wrdreg s22  }
0x18: {  	s3 =	smul.u32 $0x3000, s3;
	s4 =	sadd.s32 s4, s5;
	[dreg:$0x18] =	wrdreg s23  }
0x19: {  	s6 =	sshrl.u32 s1, $0x1;
	s7 =	simm.s32 $0xB080;
	[dreg:$0x1a] =	wrdreg s24  }
0x1a: {  	s8 =	simm.s32 $0x80;
	[dreg:$0x1b] =	wrdreg s25;
	s26 =	simm.s32 $0xC880  }
0x1b: {  	s10 =	simm.s32 $0xD880;
	s11 =	simm.s32 $0xE080;
	s12 =	simm.s32 $0xE880  }
0x1c: {  	s13 =	simm.s32 $0xF080;
	s14 =	simm.s32 $0xF880;
	s15 =	simm.s32 $0x10080  }
0x1d: {  	s16 =	simm.s32 $0x10880;
	s17 =	simm.s32 $0x11080;
	s18 =	simm.s32 $0x11880  }
0x1e: {  	s19 =	simm.s32 $0x12080;
	s20 =	simm.s32 $0x12880;
	s21 =	simm.s32 $0x13080  }
0x1f: {  	s22 =	simm.s32 $0x13880;
	s23 =	simm.s32 $0x14080;
	s24 =	simm.s32 $0x14880  }
0x20: {  	s25 =	simm.s32 $0x15080;
	s3 =	sadd.s32 s3, s5;
	[dreg:$0x19] =	wrdreg s7  }
0x21: {  	s4 =	sadd.s32 $0x1000, s4;
	s1 =	ssub.s32 s1, s6;
	[dreg:$0x1c] =	wrdreg s26  }
0x22: {  	s7 =	simm.s32 $0x2;
	[dreg:$0x2] =	wrdreg s4;
	s3 =	sadd.s32 $0xC1200, s3  }
0x23: {  	v2 =	vlaneseq.u32;
	s26 =	simm.s32 $0x15880;
	s4 =	simm.s32 $0x1880;
	[dreg:$0x3] =	wrdreg s3  }
0x24: {  	vm0 =	vmmov $0xffff;
	v1 =	vshrl.u32 v2, $0x3;
	s6 =	smax.u32 s1, $0x1;
	s1 =	simm.s32 $0x1;
	[dreg:$0x6] =	wrdreg s4  }
0x25: {  	v0 =	vand.u32 $0x7, v2;
	v2 =	vor.u32 $0x8, v2;
	v1 =	vmul.u32 $0x8, v1;
	s3 =	sadd.s32 $0x1200, s5;
	s4 =	sadd.s32 $0x1300, s5;
	s5 =	sadd.s32 $0x1400, s5  }
.LBB2_1:
0x26: {  	s0 =	rddreg [dreg:$0x2]  }
0x27: {  	[tilespmem:s2], [sflag:$0x2] =	stream.linear.gather [hbm4b:s0+s2], $0x80, $0x38;
	[tilespmem:$0x18080] =	vst v63  }
0x28: {  	_ =	swait.ge [sflag:s7], $0x80  }
0x29: {  	[sflag:s7] =	ssyncset.done $0x0  }
0x2a: {  	[sflag:s7] =	ssyncadd.s32 $0xFFFFFF80  }
0x2b: {  	v3 =	vld [tilespmem:$0x0];
	_ =	sdelay $0x4  }
0x2c: {  	v4 =	vshrl.u32 v3, $0x3  }
0x2d: {  	v4 =	vmul.u32 $0x30, v4  }
0x2e: {  	v3 =	vand.u32 $0x7, v3  }
0x2f: {  	v3 =	vor.u32 v3, v4  }
0x30: {  	v4 =	vperm.xlane v3, v0;
	_ =	sdelay $0x1  }
0x31: {  	v4 =	vadd.s32 v1, v4;
	_ =	sdelay $0x3  }
0x32: {  	v3 =	vperm.xlane v3, v2  }
0x33: {  	[tilespmem:s8], [sflag:$0x1] =	stream.indirect_vreg.gather [hbm4b:s3+s2], $0x80, v4, vm0, $0xb8;
	[tilespmem:$0x18080] =	vst v63  }
0x34: {  	s0 =	rddreg [dreg:$0x4];
	v3 =	vadd.s32 v1, v3  }
0x35: {  	[tilespmem:s0], [sflag:$0x1] =	stream.indirect_vreg.gather [hbm4b:s4+s2], $0x80, v4, vm0, $0xb8;
	[tilespmem:$0x18080] =	vst v63  }
0x36: {  	s9 =	rddreg [dreg:$0x5]  }
0x37: {  	[tilespmem:s9], [sflag:$0x1] =	stream.indirect_vreg.gather [hbm4b:s5+s2], $0x80, v4, vm0, $0xb8;
	[tilespmem:$0x18080] =	vst v63  }
0x38: {  	s0 =	rddreg [dreg:$0x6]  }
0x39: {  	[tilespmem:s0], [sflag:$0x1] =	stream.indirect_vreg.gather [hbm4b:s3+s2], $0x80, v3, vm0, $0xb8;
	[tilespmem:$0x18080] =	vst v63  }
0x3a: {  	s9 =	rddreg [dreg:$0x7]  }
0x3b: {  	[tilespmem:s9], [sflag:$0x1] =	stream.indirect_vreg.gather [hbm4b:s4+s2], $0x80, v3, vm0, $0xb8;
	[tilespmem:$0x18080] =	vst v63  }
0x3c: {  	s0 =	rddreg [dreg:$0x8]  }
0x3d: {  	[tilespmem:s0], [sflag:$0x1] =	stream.indirect_vreg.gather [hbm4b:s5+s2], $0x80, v3, vm0, $0xb8;
	[tilespmem:$0x18080] =	vst v63  }
0x3e: {  	v3 =	vld [tilespmem:$0x10];
	_ =	sdelay $0x4  }
0x3f: {  	v57 =	vshrl.u32 v3, $0x3  }
0x40: {  	v4 =	vmul.u32 $0x30, v57  }
0x41: {  	v3 =	vand.u32 $0x7, v3  }
0x42: {  	v3 =	vor.u32 v3, v4  }
0x43: {  	v4 =	vperm.xlane v3, v0;
	_ =	sdelay $0x1  }
0x44: {  	v4 =	vadd.s32 v1, v4;
	_ =	sdelay $0x3  }
0x45: {  	s0 =	rddreg [dreg:$0x9];
	v3 =	vperm.xlane v3, v2  }
0x46: {  	[tilespmem:s0], [sflag:$0x1] =	stream.indirect_vreg.gather [hbm4b:s3+s2], $0x80, v4, vm0, $0xb8;
	[tilespmem:$0x18080] =	vst v63  }
0x47: {  	s9 =	rddreg [dreg:$0xa];
	v3 =	vadd.s32 v1, v3  }
0x48: {  	[tilespmem:s9], [sflag:$0x1] =	stream.indirect_vreg.gather [hbm4b:s4+s2], $0x80, v4, vm0, $0xb8;
	[tilespmem:$0x18080] =	vst v63  }
0x49: {  	s0 =	rddreg [dreg:$0xb]  }
0x4a: {  	[tilespmem:s0], [sflag:$0x1] =	stream.indirect_vreg.gather [hbm4b:s5+s2], $0x80, v4, vm0, $0xb8;
	[tilespmem:$0x18080] =	vst v63  }
0x4b: {  	s9 =	rddreg [dreg:$0xc]  }
0x4c: {  	[tilespmem:s9], [sflag:$0x1] =	stream.indirect_vreg.gather [hbm4b:s3+s2], $0x80, v3, vm0, $0xb8;
	[tilespmem:$0x18080] =	vst v63  }
0x4d: {  	s0 =	rddreg [dreg:$0xd]  }
0x4e: {  	[tilespmem:s0], [sflag:$0x1] =	stream.indirect_vreg.gather [hbm4b:s4+s2], $0x80, v3, vm0, $0xb8;
	[tilespmem:$0x18080] =	vst v63  }
0x4f: {  	s9 =	rddreg [dreg:$0xe]  }
0x50: {  	[tilespmem:s9], [sflag:$0x1] =	stream.indirect_vreg.gather [hbm4b:s5+s2], $0x80, v3, vm0, $0xb8;
	[tilespmem:$0x18080] =	vst v63  }
0x51: {  	v3 =	vld [tilespmem:$0x20];
	_ =	sdelay $0x4  }
0x52: {  	v58 =	vshrl.u32 v3, $0x3  }
0x53: {  	v4 =	vmul.u32 $0x30, v58  }
0x54: {  	v3 =	vand.u32 $0x7, v3  }
0x55: {  	v3 =	vor.u32 v3, v4  }
0x56: {  	v4 =	vperm.xlane v3, v0;
	_ =	sdelay $0x1  }
0x57: {  	v4 =	vadd.s32 v1, v4;
	_ =	sdelay $0x3  }
0x58: {  	s0 =	rddreg [dreg:$0xf];
	v3 =	vperm.xlane v3, v2  }
0x59: {  	[tilespmem:s0], [sflag:$0x1] =	stream.indirect_vreg.gather [hbm4b:s3+s2], $0x80, v4, vm0, $0xb8;
	[tilespmem:$0x18080] =	vst v63  }
0x5a: {  	s9 =	rddreg [dreg:$0x10];
	v3 =	vadd.s32 v1, v3  }
0x5b: {  	[tilespmem:s9], [sflag:$0x1] =	stream.indirect_vreg.gather [hbm4b:s4+s2], $0x80, v4, vm0, $0xb8;
	[tilespmem:$0x18080] =	vst v63  }
0x5c: {  	s0 =	rddreg [dreg:$0x11]  }
0x5d: {  	[tilespmem:s0], [sflag:$0x1] =	stream.indirect_vreg.gather [hbm4b:s5+s2], $0x80, v4, vm0, $0xb8;
	[tilespmem:$0x18080] =	vst v63  }
0x5e: {  	s9 =	rddreg [dreg:$0x12]  }
0x5f: {  	[tilespmem:s9], [sflag:$0x1] =	stream.indirect_vreg.gather [hbm4b:s3+s2], $0x80, v3, vm0, $0xb8;
	[tilespmem:$0x18080] =	vst v63  }
0x60: {  	s0 =	rddreg [dreg:$0x13]  }
0x61: {  	[tilespmem:s0], [sflag:$0x1] =	stream.indirect_vreg.gather [hbm4b:s4+s2], $0x80, v3, vm0, $0xb8;
	[tilespmem:$0x18080] =	vst v63  }
0x62: {  	s9 =	rddreg [dreg:$0x14]  }
0x63: {  	[tilespmem:s9], [sflag:$0x1] =	stream.indirect_vreg.gather [hbm4b:s5+s2], $0x80, v3, vm0, $0xb8;
	[tilespmem:$0x18080] =	vst v63  }
0x64: {  	v3 =	vld [tilespmem:$0x30];
	_ =	sdelay $0x4  }
0x65: {  	v59 =	vshrl.u32 v3, $0x3  }
0x66: {  	v4 =	vmul.u32 $0x30, v59  }
0x67: {  	v3 =	vand.u32 $0x7, v3  }
0x68: {  	v3 =	vor.u32 v3, v4  }
0x69: {  	v4 =	vperm.xlane v3, v0;
	_ =	sdelay $0x1  }
0x6a: {  	v4 =	vadd.s32 v1, v4;
	_ =	sdelay $0x3  }
0x6b: {  	s0 =	rddreg [dreg:$0x15];
	v3 =	vperm.xlane v3, v2  }
0x6c: {  	[tilespmem:s0], [sflag:$0x1] =	stream.indirect_vreg.gather [hbm4b:s3+s2], $0x80, v4, vm0, $0xb8;
	[tilespmem:$0x18080] =	vst v63  }
0x6d: {  	s9 =	rddreg [dreg:$0x16];
	v3 =	vadd.s32 v1, v3  }
0x6e: {  	[tilespmem:s9], [sflag:$0x1] =	stream.indirect_vreg.gather [hbm4b:s4+s2], $0x80, v4, vm0, $0xb8;
	[tilespmem:$0x18080] =	vst v63  }
0x6f: {  	s0 =	rddreg [dreg:$0x17]  }
0x70: {  	[tilespmem:s0], [sflag:$0x1] =	stream.indirect_vreg.gather [hbm4b:s5+s2], $0x80, v4, vm0, $0xb8;
	[tilespmem:$0x18080] =	vst v63  }
0x71: {  	s9 =	rddreg [dreg:$0x18]  }
0x72: {  	[tilespmem:s9], [sflag:$0x1] =	stream.indirect_vreg.gather [hbm4b:s3+s2], $0x80, v3, vm0, $0xb8;
	[tilespmem:$0x18080] =	vst v63  }
0x73: {  	s0 =	rddreg [dreg:$0x19]  }
0x74: {  	[tilespmem:s0], [sflag:$0x1] =	stream.indirect_vreg.gather [hbm4b:s4+s2], $0x80, v3, vm0, $0xb8;
	[tilespmem:$0x18080] =	vst v63  }
0x75: {  	s9 =	rddreg [dreg:$0x1a]  }
0x76: {  	[tilespmem:s9], [sflag:$0x1] =	stream.indirect_vreg.gather [hbm4b:s5+s2], $0x80, v3, vm0, $0xb8;
	[tilespmem:$0x18080] =	vst v63  }
0x77: {  	v3 =	vld [tilespmem:$0x40];
	_ =	sdelay $0x4  }
0x78: {  	v60 =	vshrl.u32 v3, $0x3  }
0x79: {  	v4 =	vmul.u32 $0x30, v60  }
0x7a: {  	v3 =	vand.u32 $0x7, v3  }
0x7b: {  	v3 =	vor.u32 v3, v4  }
0x7c: {  	v4 =	vperm.xlane v3, v0;
	_ =	sdelay $0x1  }
0x7d: {  	v4 =	vadd.s32 v1, v4;
	_ =	sdelay $0x3  }
0x7e: {  	s0 =	rddreg [dreg:$0x1b];
	v3 =	vperm.xlane v3, v2  }
0x7f: {  	[tilespmem:s0], [sflag:$0x1] =	stream.indirect_vreg.gather [hbm4b:s3+s2], $0x80, v4, vm0, $0xb8;
	[tilespmem:$0x18080] =	vst v63  }
0x80: {  	s9 =	rddreg [dreg:$0x1c];
	v3 =	vadd.s32 v1, v3  }
0x81: {  	[tilespmem:s9], [sflag:$0x1] =	stream.indirect_vreg.gather [hbm4b:s4+s2], $0x80, v4, vm0, $0xb8;
	[tilespmem:$0x18080] =	vst v63  }
0x82: {  	s9 =	simm.s32 $0xD080  }
0x83: {  	[tilespmem:s9], [sflag:$0x1] =	stream.indirect_vreg.gather [hbm4b:s5+s2], $0x80, v4, vm0, $0xb8;
	[tilespmem:$0x18080] =	vst v63  }
0x84: {  	_ = 	snop  }
0x85: {  	[tilespmem:s10], [sflag:$0x1] =	stream.indirect_vreg.gather [hbm4b:s3+s2], $0x80, v3, vm0, $0xb8;
	[tilespmem:$0x18080] =	vst v63  }
0x86: {  	_ = 	snop  }
0x87: {  	[tilespmem:s11], [sflag:$0x1] =	stream.indirect_vreg.gather [hbm4b:s4+s2], $0x80, v3, vm0, $0xb8;
	[tilespmem:$0x18080] =	vst v63  }
0x88: {  	_ = 	snop  }
0x89: {  	[tilespmem:s12], [sflag:$0x1] =	stream.indirect_vreg.gather [hbm4b:s5+s2], $0x80, v3, vm0, $0xb8;
	[tilespmem:$0x18080] =	vst v63  }
0x8a: {  	v3 =	vld [tilespmem:$0x50];
	_ =	sdelay $0x4  }
0x8b: {  	v61 =	vshrl.u32 v3, $0x3  }
0x8c: {  	v4 =	vmul.u32 $0x30, v61  }
0x8d: {  	v3 =	vand.u32 $0x7, v3  }
0x8e: {  	v3 =	vor.u32 v3, v4  }
0x8f: {  	v4 =	vperm.xlane v3, v0;
	_ =	sdelay $0x1  }
0x90: {  	v4 =	vadd.s32 v1, v4;
	_ =	sdelay $0x3  }
0x91: {  	v3 =	vperm.xlane v3, v2  }
0x92: {  	[tilespmem:s13], [sflag:$0x1] =	stream.indirect_vreg.gather [hbm4b:s3+s2], $0x80, v4, vm0, $0xb8;
	[tilespmem:$0x18080] =	vst v63  }
0x93: {  	v3 =	vadd.s32 v1, v3  }
0x94: {  	[tilespmem:s14], [sflag:$0x1] =	stream.indirect_vreg.gather [hbm4b:s4+s2], $0x80, v4, vm0, $0xb8;
	[tilespmem:$0x18080] =	vst v63  }
0x95: {  	_ = 	snop  }
0x96: {  	[tilespmem:s15], [sflag:$0x1] =	stream.indirect_vreg.gather [hbm4b:s5+s2], $0x80, v4, vm0, $0xb8;
	[tilespmem:$0x18080] =	vst v63  }
0x97: {  	_ = 	snop  }
0x98: {  	[tilespmem:s16], [sflag:$0x1] =	stream.indirect_vreg.gather [hbm4b:s3+s2], $0x80, v3, vm0, $0xb8;
	[tilespmem:$0x18080] =	vst v63  }
0x99: {  	_ = 	snop  }
0x9a: {  	[tilespmem:s17], [sflag:$0x1] =	stream.indirect_vreg.gather [hbm4b:s4+s2], $0x80, v3, vm0, $0xb8;
	[tilespmem:$0x18080] =	vst v63  }
0x9b: {  	_ = 	snop  }
0x9c: {  	[tilespmem:s18], [sflag:$0x1] =	stream.indirect_vreg.gather [hbm4b:s5+s2], $0x80, v3, vm0, $0xb8;
	[tilespmem:$0x18080] =	vst v63  }
0x9d: {  	v3 =	vld [tilespmem:$0x60];
	_ =	sdelay $0x4  }
0x9e: {  	v62 =	vshrl.u32 v3, $0x3  }
0x9f: {  	v4 =	vmul.u32 $0x30, v62  }
0xa0: {  	v3 =	vand.u32 $0x7, v3  }
0xa1: {  	v3 =	vor.u32 v3, v4  }
0xa2: {  	v4 =	vperm.xlane v3, v0;
	_ =	sdelay $0x1  }
0xa3: {  	v4 =	vadd.s32 v1, v4;
	_ =	sdelay $0x3  }
0xa4: {  	v3 =	vperm.xlane v3, v2  }
0xa5: {  	[tilespmem:s19], [sflag:$0x1] =	stream.indirect_vreg.gather [hbm4b:s3+s2], $0x80, v4, vm0, $0xb8;
	[tilespmem:$0x18080] =	vst v63  }
0xa6: {  	v3 =	vadd.s32 v1, v3  }
0xa7: {  	[tilespmem:s20], [sflag:$0x1] =	stream.indirect_vreg.gather [hbm4b:s4+s2], $0x80, v4, vm0, $0xb8;
	[tilespmem:$0x18080] =	vst v63  }
0xa8: {  	_ = 	snop  }
0xa9: {  	[tilespmem:s21], [sflag:$0x1] =	stream.indirect_vreg.gather [hbm4b:s5+s2], $0x80, v4, vm0, $0xb8;
	[tilespmem:$0x18080] =	vst v63  }
0xaa: {  	_ = 	snop  }
0xab: {  	[tilespmem:s22], [sflag:$0x1] =	stream.indirect_vreg.gather [hbm4b:s3+s2], $0x80, v3, vm0, $0xb8;
	[tilespmem:$0x18080] =	vst v63  }
0xac: {  	_ = 	snop  }
0xad: {  	[tilespmem:s23], [sflag:$0x1] =	stream.indirect_vreg.gather [hbm4b:s4+s2], $0x80, v3, vm0, $0xb8;
	[tilespmem:$0x18080] =	vst v63  }
0xae: {  	_ = 	snop  }
0xaf: {  	[tilespmem:s24], [sflag:$0x1] =	stream.indirect_vreg.gather [hbm4b:s5+s2], $0x80, v3, vm0, $0xb8;
	[tilespmem:$0x18080] =	vst v63  }
0xb0: {  	v3 =	vld [tilespmem:$0x70];
	_ =	sdelay $0x4  }
0xb1: {  	v63 =	vshrl.u32 v3, $0x3  }
0xb2: {  	v4 =	vmul.u32 $0x30, v63  }
0xb3: {  	v3 =	vand.u32 $0x7, v3  }
0xb4: {  	v3 =	vor.u32 v3, v4  }
0xb5: {  	v4 =	vperm.xlane v3, v0;
	_ =	sdelay $0x1  }
0xb6: {  	v4 =	vadd.s32 v1, v4;
	_ =	sdelay $0x3  }
0xb7: {  	v3 =	vperm.xlane v3, v2  }
0xb8: {  	[tilespmem:s25], [sflag:$0x1] =	stream.indirect_vreg.gather [hbm4b:s3+s2], $0x80, v4, vm0, $0xb8;
	[tilespmem:$0x18080] =	vst v63  }
0xb9: {  	v3 =	vadd.s32 v1, v3  }
0xba: {  	[tilespmem:s26], [sflag:$0x1] =	stream.indirect_vreg.gather [hbm4b:s4+s2], $0x80, v4, vm0, $0xb8;
	[tilespmem:$0x18080] =	vst v63  }
0xbb: {  	_ = 	snop  }
0xbc: {  	[tilespmem:s28], [sflag:$0x1] =	stream.indirect_vreg.gather [hbm4b:s5+s2], $0x80, v4, vm0, $0xb8;
	[tilespmem:$0x18080] =	vst v63  }
0xbd: {  	_ = 	snop  }
0xbe: {  	[tilespmem:s29], [sflag:$0x1] =	stream.indirect_vreg.gather [hbm4b:s3+s2], $0x80, v3, vm0, $0xb8;
	[tilespmem:$0x18080] =	vst v63  }
0xbf: {  	_ = 	snop  }
0xc0: {  	[tilespmem:s30], [sflag:$0x1] =	stream.indirect_vreg.gather [hbm4b:s4+s2], $0x80, v3, vm0, $0xb8;
	[tilespmem:$0x18080] =	vst v63  }
0xc1: {  	_ = 	snop  }
0xc2: {  	[tilespmem:s31], [sflag:$0x1] =	stream.indirect_vreg.gather [hbm4b:s5+s2], $0x80, v3, vm0, $0xb8;
	[tilespmem:$0x18080] =	vst v63  }
0xc3: {  	_ =	swait.ge [sflag:s1], $0x18000  }
0xc4: {  	p0 =	sne.s32 s6, $0x1;
	[sflag:s1] =	ssyncset.done $0x0  }
.Ltmp0:
0xc5: {  	s9 =	rddreg [dreg:$0x3];
	[sflag:s1] =	ssyncadd.s32 $0xFFFE8000;
	(pc) =	sbr.rel @p0 .LBB2_1-.Ltmp0, $4  }
0xc6: {  	[hbm4b:s9+s2] =	stream.linear.scatter [tilespmem:s8], [sflag:$0x2], $0x18000, $0x38;
	[tilespmem:$0x18080] =	vst v63  }
0xc7: {  	_ =	swait.ge [sflag:s7], $0x18000  }
0xc8: {  	[sflag:s7] =	ssyncset.done $0x0  }
0xc9: {  	s6 =	sadd.s32 $0xFFFFFFFF, s6;
	[sflag:s7] =	ssyncadd.s32 $0xFFFE8000  }
0xca: {  	_ =	sfence.sel $0x180000  }
0xcb: {  	[bflag:$0x0] =	sbarrier.arrive $0xFFFF  }
0xcc: {  	_ =	strace $0x9000004A  }
0xcd: {  	s0 =	stileid.u32;
	[bflag:$0x2] =	sbarrier.arrive $0xFFFF  }
0xce: {  	p0 =	sne.s32 s0, $0x0;
	s0 =	rddreg [dreg:$0x1]  }
0xcf: {  	s0 =	sadd.s32 @!p0 $0x100000, s0  }
0xd0: {  	[sflag:s0] =	ssyncadd.tile.s32 @!p0 $0x1;
	_ =	shalt  }
.Lfunc_end2:
_tile_overlayer_lowered:
.L_overlay_start_2:
0xd1: {  	(tag) =	ssettag $0x2  }
0xd2: {  	s0 =	rddreg [dreg:$0x0];
	s2 =	stileid.u32  }
0xd3: {  	s1 =	rddreg [dreg:$0x1];
	p0 =	sne.s32 s2, $0x0  }
0xd4: {  	s3 =	rddreg [dreg:$0x2];
	[bflag:$0x3] =	sbarrier.arrive $0xFFFF;
	s2 =	simm.s32 @!p0 $0x1C02  }
0xd5: {  	[timem:s3], [sflag:s2] =	dma.local @!p0 [hbm:s0], s1  }
0xd6: {  	s0 =	simm.s32 @!p0 $0x2  }
0xd7: {  	_ =	swait.ge @!p0 [sflag:s0], s1  }
0xd8: {  	s1 =	ssub.s32 @!p0 $0x0, s1;
	[sflag:s0] =	ssyncset.done @!p0 $0x0  }
0xd9: {  	[sflag:s0] =	ssyncadd.s32 @!p0 s1  }
0xda: {  	[bflag:$0x3] =	sbarrier.arrive $0xFFFF  }
0xdb: {  	_ =	shalt  }

</sc_bundles>
